<compile_context>
chip_gen: v7x
topology: tpu7x:2x2x1
jax: 0.10.2.dev20260603
libtpu: 0.0.44.dev20260713+nightly
codegen_flags: <defaults>
</compile_context>

<pallas_src>
import functools

import jax
import jax.numpy as jnp
from jax import lax
from jax.experimental import pallas as pl
from jax.experimental.pallas import tpu as pltpu
from jax.experimental.pallas import tpu_sc as plsc

N = 10000
E = 320000
F = 128
NC = 2
NS = 16
NW = NC * NS
K = 125
HALF = 40
ROWS = E // K
CPW = ROWS // NW
NPT = 624
TAIL = N - NS * NPT
DW = 16

_mesh = plsc.VectorSubcoreMesh(core_axis_name="c", subcore_axis_name="s")


def _deg_body(src_hbm, deg_hbm, idx_v, buf_v, sem_d, acc_sh):
    c = lax.axis_index("c")
    s = lax.axis_index("s")
    wid = c * NS + s

    pltpu.sync_copy(src_hbm.at[pl.ds(wid * CPW, CPW)], idx_v)

    def zero_row(i, _):
        buf_v[i, :] = jnp.zeros((DW,), jnp.float32)
        return 0
    lax.fori_loop(0, 128, zero_row, 0)
    for z in range(6):
        pltpu.sync_copy(buf_v.at[pl.ds(0, 104)],
                        acc_sh.at[pl.ds(s * NPT + z * 104, 104)])

    @pl.when(s == 0)
    def _():
        pltpu.sync_copy(buf_v.at[pl.ds(0, TAIL)],
                        acc_sh.at[pl.ds(NS * NPT, TAIL)])
    plsc.subcore_barrier()

    def one_row(i, _):
        buf_v[i, :] = jnp.ones((DW,), jnp.float32)
        return 0
    lax.fori_loop(0, 128, one_row, 0)

    NBUF = 8
    for j in range(NBUF):
        pltpu.async_copy(buf_v.at[pl.ds(0, K)], acc_sh.at[idx_v.at[j]],
                         sem_d, add=True)

    def body(j, _):
        pltpu.make_async_copy(buf_v.at[pl.ds(0, K)],
                              acc_sh.at[idx_v.at[j]], sem_d).wait()
        pltpu.async_copy(buf_v.at[pl.ds(0, K)],
                         acc_sh.at[idx_v.at[j + NBUF]], sem_d, add=True)
        return 0
    lax.fori_loop(0, CPW - NBUF, body, 0)
    for j in range(NBUF):
        pltpu.make_async_copy(buf_v.at[pl.ds(0, K)],
                              acc_sh.at[idx_v.at[j]], sem_d).wait()
    plsc.subcore_barrier()

    pltpu.sync_copy(acc_sh.at[pl.ds(s * NPT, NPT)],
                    deg_hbm.at[pl.ds(c * N + s * NPT, NPT)])

    @pl.when(s == 0)
    def _():
        pltpu.sync_copy(acc_sh.at[pl.ds(NS * NPT, TAIL)],
                        deg_hbm.at[pl.ds(c * N + NS * NPT, TAIL)])


_deg_call = functools.partial(
    pl.kernel,
    out_type=jax.ShapeDtypeStruct((NC * N, DW), jnp.float32),
    mesh=_mesh,
    scratch_types=[
        pltpu.VMEM((CPW, K), jnp.int32),
        pltpu.VMEM((128, DW), jnp.float32),
        pltpu.SemaphoreType.DMA,
        pltpu.VMEM_SHARED((N, DW), jnp.float32),
    ],
)(_deg_body)


def _mm_body(x_ref, w_ref, dg_ref, hs_ref):
    h = jnp.dot(x_ref[...], w_ref[...], preferred_element_type=jnp.float32)
    d = dg_ref[0, :, 0:1] + dg_ref[1, :, 0:1]
    hs_ref[...] = h * lax.rsqrt(d)


def _agg_body(hs_hbm, src_hbm, dst_hbm, p_hbm, sidx, didx, rows0, rows1,
              sem0, sem1, sem2, acc_sh):
    c = lax.axis_index("c")
    s = lax.axis_index("s")
    wid = c * NS + s
    row0 = wid * CPW

    a_s = pltpu.async_copy(src_hbm.at[pl.ds(row0, HALF)], sidx, sem0)
    a_d = pltpu.async_copy(dst_hbm.at[pl.ds(row0, HALF)], didx, sem1)
    a_i = pltpu.async_copy(hs_hbm.at[pl.ds(s * NPT, NPT)],
                           acc_sh.at[pl.ds(s * NPT, NPT)], sem2)

    @pl.when(s == 0)
    def _():
        pltpu.sync_copy(hs_hbm.at[pl.ds(NS * NPT, TAIL)],
                        acc_sh.at[pl.ds(NS * NPT, TAIL)])
    a_s.wait()
    a_d.wait()
    a_i.wait()
    plsc.subcore_barrier()

    for h in range(CPW // HALF):
        if h > 0:
            pltpu.sync_copy(src_hbm.at[pl.ds(row0 + h * HALF, HALF)], sidx)
            pltpu.sync_copy(dst_hbm.at[pl.ds(row0 + h * HALF, HALF)], didx)
        pltpu.async_copy(hs_hbm.at[sidx.at[0]], rows0, sem0)

        def body(i, _):
            j0 = 2 * i
            pltpu.async_copy(hs_hbm.at[sidx.at[j0 + 1]], rows1, sem1)
            pltpu.make_async_copy(hs_hbm.at[sidx.at[j0]], rows0, sem0).wait()
            pltpu.sync_copy(rows0, acc_sh.at[didx.at[j0]], add=True)

            @pl.when(j0 + 2 < HALF)
            def _():
                pltpu.async_copy(hs_hbm.at[sidx.at[j0 + 2]], rows0, sem0)
            pltpu.make_async_copy(hs_hbm.at[sidx.at[j0 + 1]], rows1,
                                  sem1).wait()
            pltpu.sync_copy(rows1, acc_sh.at[didx.at[j0 + 1]], add=True)
            return 0
        lax.fori_loop(0, HALF // 2, body, 0)
    plsc.subcore_barrier()

    pltpu.sync_copy(acc_sh.at[pl.ds(s * NPT, NPT)],
                    p_hbm.at[pl.ds(c * N + s * NPT, NPT)])

    @pl.when(s == 0)
    def _():
        pltpu.sync_copy(acc_sh.at[pl.ds(NS * NPT, TAIL)],
                        p_hbm.at[pl.ds(c * N + NS * NPT, TAIL)])


_agg_call = functools.partial(
    pl.kernel,
    out_type=jax.ShapeDtypeStruct((NC * N, F), jnp.float32),
    mesh=_mesh,
    scratch_types=[
        pltpu.VMEM((HALF, K), jnp.int32),
        pltpu.VMEM((HALF, K), jnp.int32),
        pltpu.VMEM((K, F), jnp.float32),
        pltpu.VMEM((K, F), jnp.float32),
        pltpu.SemaphoreType.DMA,
        pltpu.SemaphoreType.DMA,
        pltpu.SemaphoreType.DMA,
        pltpu.VMEM_SHARED((N, F), jnp.float32),
    ],
)(_agg_body)


def _fin_body(p_ref, hs_ref, dg_ref, b_ref, o_ref):
    d = dg_ref[0, :, 0:1] + dg_ref[1, :, 0:1]
    r = lax.rsqrt(d)
    acc = p_ref[0] + p_ref[1] - hs_ref[...]
    o_ref[...] = jnp.maximum(acc * r + b_ref[...], 0.0)


_RB = 2000
_GRID = N // _RB


def kernel(node_feats, adj, w, b):
    src2d = adj[0].reshape(ROWS, K)
    dst2d = adj[1].reshape(ROWS, K)

    degw = _deg_call(src2d)
    deg3 = degw.reshape(NC, N, DW)

    hs = pl.pallas_call(
        _mm_body,
        grid=(_GRID,),
        in_specs=[
            pl.BlockSpec((_RB, F), lambda i: (i, 0)),
            pl.BlockSpec((F, F), lambda i: (0, 0)),
            pl.BlockSpec((NC, _RB, DW), lambda i: (0, i, 0)),
        ],
        out_specs=pl.BlockSpec((_RB, F), lambda i: (i, 0)),
        out_shape=jax.ShapeDtypeStruct((N, F), jnp.float32),
    )(node_feats, w, deg3)

    p = _agg_call(hs, src2d, dst2d).reshape(NC, N, F)

    out = pl.pallas_call(
        _fin_body,
        grid=(_GRID,),
        in_specs=[
            pl.BlockSpec((NC, _RB, F), lambda i: (0, i, 0)),
            pl.BlockSpec((_RB, F), lambda i: (i, 0)),
            pl.BlockSpec((NC, _RB, DW), lambda i: (0, i, 0)),
            pl.BlockSpec((1, F), lambda i: (0, 0)),
        ],
        out_specs=pl.BlockSpec((_RB, F), lambda i: (i, 0)),
        out_shape=jax.ShapeDtypeStruct((N, F), jnp.float32),
    )(p, hs, deg3, b.reshape(1, F))
    return out

# --- scband reference (transcript-rebuilt; emitter-appended) ---
"""Pipeline reference for scband-sparse-gcnlayer-43654047596800 (READ-ONLY COPY).

The authoritative reference and input builder live on the scoring server;
editing this copy changes nothing except your own understanding.
"""

import jax, jax.numpy as jnp
import numpy as np

N_NODES = 10000
N_EDGES = 320000
IN_FEATS = 128
OUT_FEATS = 128


def setup_inputs(seed: int = 0) -> dict:
    key = jax.random.key(seed)
    k1, k2, k3, k4 = jax.random.split(key, 4)
    node_feats = jax.random.normal(k1, (N_NODES, IN_FEATS), dtype=jnp.float32)
    adj = jax.random.randint(k2, (2, N_EDGES), 0, N_NODES, dtype=jnp.int32)
    # parameters (TruncatedNormal init approximated with scaled normal)
    w = jax.random.normal(k3, (IN_FEATS, OUT_FEATS), dtype=jnp.float32) * np.sqrt(2.0 / IN_FEATS)
    b = jax.random.normal(k4, (OUT_FEATS,), dtype=jnp.float32)
    return {"node_feats": node_feats, "adj": adj, "w": w, "b": b}


def reference(node_feats, adj, w, b):
    # affine transform
    h = jnp.dot(node_feats, w)
    src_idx, dest_idx = adj[0], adj[1]
    # normalize=True branch: degree computed from src counts (out-degree),
    # symmetric-ish normalization before and after scatter-add aggregation
    degree = jnp.zeros((h.shape[0],), dtype=h.dtype).at[src_idx].add(1.0).reshape(-1, 1)
    h = h / jnp.sqrt(degree)
    h = h.at[dest_idx].add(h[src_idx])
    h = h / jnp.sqrt(degree)
    # bias + default relu activation; dropout=0.0 and batch_norm=False, so no-op
    h = h + b
    h = jax.nn.relu(h)
    return h

if __name__ == "__main__":
    import jax
    _d = setup_inputs()
    print(jax.jit(kernel)(*tuple(_d.values())))

</pallas_src>

<mosaic_0001>
#map = affine_map<(d0, d1) -> (0, 0)>
module attributes {stable_mosaic.version = 14 : i64} {
  func.func @_deg_body(%arg0: i32, %arg1: i32, %arg2: memref<2560x125xi32, #tpu.memory_space<hbm>>, %arg3: memref<20000x16xf32, #tpu.memory_space<hbm>>, %arg4: memref<80x125xi32, #tpu.memory_space<vmem>>, %arg5: memref<128x16xf32, #tpu.memory_space<vmem>>, %arg6: memref<!tpu.dma_semaphore, #tpu.memory_space<semaphore_mem>>, %arg7: memref<10000x16xf32, #tpu.memory_space<vmem_shared>>) attributes {dimension_semantics = [#tpu.dimension_semantics<core_parallel>, #tpu.dimension_semantics<subcore_parallel>], iteration_bounds = array<i64: 2, 16>, scalar_prefetch = 0 : i64, scratch_operands = 4 : i64, tpu.core_type = #tpu.core_type<sc_vector_subcore>, window_params = [{transform_indices = #map}, {transform_indices = #map}]} {
    %mul3A = arith.constant 16 : i32
    %mul3A_0 = arith.muli %arg0, %mul3A : i32
    %add3A = arith.addi %mul3A_0, %arg1 : i32
    %mul3A_1 = arith.constant 80 : i32
    %mul3A_2 = arith.muli %add3A, %mul3A_1 : i32
    "tpu.region"() ({
      %run_scoped3A = tpu.sem_alloc : memref<!tpu.dma_semaphore, #tpu.memory_space<semaphore_mem>>
      %dma_start3A_220 = arith.constant 0 : i32
      %dma_start3A_221 = tpu.memref_slice %arg2[%mul3A_2, %dma_start3A_220] : memref<2560x125xi32, #tpu.memory_space<hbm>> -> memref<80x125xi32, #tpu.memory_space<hbm>>
      %dma_start3A_222 = arith.constant 0 : i32
      %dma_start3A_223 = tpu.memref_slice %arg2[%mul3A_2, %dma_start3A_222] : memref<2560x125xi32, #tpu.memory_space<hbm>> -> memref<80x125xi32, #tpu.memory_space<hbm>>
      tpu.enqueue_dma source(%dma_start3A_223 : memref<80x125xi32, #tpu.memory_space<hbm>>) target(%arg4 : memref<80x125xi32, #tpu.memory_space<vmem>>) target_semaphore(%run_scoped3A : memref<!tpu.dma_semaphore, #tpu.memory_space<semaphore_mem>>)
      %dma_wait3A_224 = arith.constant 0 : i32
      %dma_wait3A_225 = tpu.memref_slice %arg2[%mul3A_2, %dma_wait3A_224] : memref<2560x125xi32, #tpu.memory_space<hbm>> -> memref<80x125xi32, #tpu.memory_space<hbm>>
      %dma_wait3A_226 = arith.constant 0 : i32
      %dma_wait3A_227 = tpu.memref_slice %arg2[%mul3A_2, %dma_wait3A_226] : memref<2560x125xi32, #tpu.memory_space<hbm>> -> memref<80x125xi32, #tpu.memory_space<hbm>>
      tpu.wait_dma2 semaphore(%run_scoped3A : memref<!tpu.dma_semaphore, #tpu.memory_space<semaphore_mem>>) src(%dma_wait3A_227 : memref<80x125xi32, #tpu.memory_space<hbm>>) dst(%arg4 : memref<80x125xi32, #tpu.memory_space<vmem>>)
      tpu.yield
    }) : () -> ()
    %scan3A = arith.constant 0 : i32
    %scan3A_3 = arith.constant 0 : i32
    %scan3A_4 = arith.constant 128 : i32
    %scan3A_5 = arith.addi %scan3A_3, %scan3A_4 : i32
    %scan3A_6 = arith.constant 1 : i32
    %scan3A_7 = scf.for %scan3A_220 = %scan3A_3 to %scan3A_5 step %scan3A_6 iter_args(%scan3A_221 = %scan3A) -> (i32)  : i32 {
      %broadcast_in_dim3A = arith.constant 0.000000e+00 : f32
      %broadcast_in_dim3A_222 = vector.broadcast %broadcast_in_dim3A : f32 to vector<16xf32>
      %swap3A = arith.index_cast %scan3A_220 : i32 to index
      %swap3A_223 = arith.constant 0 : index
      %swap3A_224 = tpu.vector_load %arg5[%swap3A, %swap3A_223] {strides = array<i32>} : memref<128x16xf32, #tpu.memory_space<vmem>>, vector<1x16xf32>,
      %swap3A_225 = vector.shape_cast %swap3A_224 : vector<1x16xf32> to vector<16xf32>
      %swap3A_226 = vector.shape_cast %broadcast_in_dim3A_222 : vector<16xf32> to vector<1x16xf32>
      tpu.vector_store %arg5[%swap3A, %swap3A_223], %swap3A_226 {strides = array<i32>} : memref<128x16xf32, #tpu.memory_space<vmem>>, vector<1x16xf32>,
      %scan3A_227 = arith.constant 0 : i32
      scf.yield %scan3A_227 : i32
    }
    %scan3A_8 = arith.constant 128 : i32
    %mul3A_9 = arith.constant 624 : i32
    %mul3A_10 = arith.muli %arg1, %mul3A_9 : i32
    %add3A_11 = arith.constant 0 : i32
    %add3A_12 = arith.addi %mul3A_10, %add3A_11 : i32
    "tpu.region"() ({
      %run_scoped3A = tpu.sem_alloc : memref<!tpu.dma_semaphore, #tpu.memory_space<semaphore_mem>>
      %dma_start3A_220 = arith.constant 0 : i32
      %dma_start3A_221 = arith.constant 0 : i32
      %dma_start3A_222 = tpu.memref_slice %arg5[%dma_start3A_220, %dma_start3A_221] : memref<128x16xf32, #tpu.memory_space<vmem>> -> memref<104x16xf32, #tpu.memory_space<vmem>>
      %dma_start3A_223 = arith.constant 0 : i32
      %dma_start3A_224 = tpu.memref_slice %arg7[%add3A_12, %dma_start3A_223] : memref<10000x16xf32, #tpu.memory_space<vmem_shared>> -> memref<104x16xf32, #tpu.memory_space<vmem_shared>>
      %dma_start3A_225 = arith.constant 0 : i32
      %dma_start3A_226 = tpu.memref_slice %arg7[%add3A_12, %dma_start3A_225] : memref<10000x16xf32, #tpu.memory_space<vmem_shared>> -> memref<104x16xf32, #tpu.memory_space<vmem_shared>>
      %dma_start3A_227 = arith.constant 0 : i32
      %dma_start3A_228 = arith.constant 0 : i32
      %dma_start3A_229 = tpu.memref_slice %arg5[%dma_start3A_227, %dma_start3A_228] : memref<128x16xf32, #tpu.memory_space<vmem>> -> memref<104x16xf32, #tpu.memory_space<vmem>>
      tpu.enqueue_dma source(%dma_start3A_229 : memref<104x16xf32, #tpu.memory_space<vmem>>) target(%dma_start3A_226 : memref<104x16xf32, #tpu.memory_space<vmem_shared>>) target_semaphore(%run_scoped3A : memref<!tpu.dma_semaphore, #tpu.memory_space<semaphore_mem>>)
      %dma_wait3A_230 = arith.constant 0 : i32
      %dma_wait3A_231 = arith.constant 0 : i32
      %dma_wait3A_232 = tpu.memref_slice %arg5[%dma_wait3A_230, %dma_wait3A_231] : memref<128x16xf32, #tpu.memory_space<vmem>> -> memref<104x16xf32, #tpu.memory_space<vmem>>
      %dma_wait3A_233 = arith.constant 0 : i32
      %dma_wait3A_234 = tpu.memref_slice %arg7[%add3A_12, %dma_wait3A_233] : memref<10000x16xf32, #tpu.memory_space<vmem_shared>> -> memref<104x16xf32, #tpu.memory_space<vmem_shared>>
      %dma_wait3A_235 = arith.constant 0 : i32
      %dma_wait3A_236 = tpu.memref_slice %arg7[%add3A_12, %dma_wait3A_235] : memref<10000x16xf32, #tpu.memory_space<vmem_shared>> -> memref<104x16xf32, #tpu.memory_space<vmem_shared>>
      %dma_wait3A_237 = arith.constant 0 : i32
      %dma_wait3A_238 = arith.constant 0 : i32
      %dma_wait3A_239 = tpu.memref_slice %arg5[%dma_wait3A_237, %dma_wait3A_238] : memref<128x16xf32, #tpu.memory_space<vmem>> -> memref<104x16xf32, #tpu.memory_space<vmem>>
      tpu.wait_dma2 semaphore(%run_scoped3A : memref<!tpu.dma_semaphore, #tpu.memory_space<semaphore_mem>>) src(%dma_wait3A_239 : memref<104x16xf32, #tpu.memory_space<vmem>>) dst(%dma_wait3A_236 : memref<104x16xf32, #tpu.memory_space<vmem_shared>>)
      tpu.yield
    }) : () -> ()
    %mul3A_13 = arith.constant 624 : i32
    %mul3A_14 = arith.muli %arg1, %mul3A_13 : i32
    %add3A_15 = arith.constant 104 : i32
    %add3A_16 = arith.addi %mul3A_14, %add3A_15 : i32
    "tpu.region"() ({
      %run_scoped3A = tpu.sem_alloc : memref<!tpu.dma_semaphore, #tpu.memory_space<semaphore_mem>>
      %dma_start3A_220 = arith.constant 0 : i32
      %dma_start3A_221 = arith.constant 0 : i32
      %dma_start3A_222 = tpu.memref_slice %arg5[%dma_start3A_220, %dma_start3A_221] : memref<128x16xf32, #tpu.memory_space<vmem>> -> memref<104x16xf32, #tpu.memory_space<vmem>>
      %dma_start3A_223 = arith.constant 0 : i32
      %dma_start3A_224 = tpu.memref_slice %arg7[%add3A_16, %dma_start3A_223] : memref<10000x16xf32, #tpu.memory_space<vmem_shared>> -> memref<104x16xf32, #tpu.memory_space<vmem_shared>>
      %dma_start3A_225 = arith.constant 0 : i32
      %dma_start3A_226 = tpu.memref_slice %arg7[%add3A_16, %dma_start3A_225] : memref<10000x16xf32, #tpu.memory_space<vmem_shared>> -> memref<104x16xf32, #tpu.memory_space<vmem_shared>>
      %dma_start3A_227 = arith.constant 0 : i32
      %dma_start3A_228 = arith.constant 0 : i32
      %dma_start3A_229 = tpu.memref_slice %arg5[%dma_start3A_227, %dma_start3A_228] : memref<128x16xf32, #tpu.memory_space<vmem>> -> memref<104x16xf32, #tpu.memory_space<vmem>>
      tpu.enqueue_dma source(%dma_start3A_229 : memref<104x16xf32, #tpu.memory_space<vmem>>) target(%dma_start3A_226 : memref<104x16xf32, #tpu.memory_space<vmem_shared>>) target_semaphore(%run_scoped3A : memref<!tpu.dma_semaphore, #tpu.memory_space<semaphore_mem>>)
      %dma_wait3A_230 = arith.constant 0 : i32
      %dma_wait3A_231 = arith.constant 0 : i32
      %dma_wait3A_232 = tpu.memref_slice %arg5[%dma_wait3A_230, %dma_wait3A_231] : memref<128x16xf32, #tpu.memory_space<vmem>> -> memref<104x16xf32, #tpu.memory_space<vmem>>
      %dma_wait3A_233 = arith.constant 0 : i32
      %dma_wait3A_234 = tpu.memref_slice %arg7[%add3A_16, %dma_wait3A_233] : memref<10000x16xf32, #tpu.memory_space<vmem_shared>> -> memref<104x16xf32, #tpu.memory_space<vmem_shared>>
      %dma_wait3A_235 = arith.constant 0 : i32
      %dma_wait3A_236 = tpu.memref_slice %arg7[%add3A_16, %dma_wait3A_235] : memref<10000x16xf32, #tpu.memory_space<vmem_shared>> -> memref<104x16xf32, #tpu.memory_space<vmem_shared>>
      %dma_wait3A_237 = arith.constant 0 : i32
      %dma_wait3A_238 = arith.constant 0 : i32
      %dma_wait3A_239 = tpu.memref_slice %arg5[%dma_wait3A_237, %dma_wait3A_238] : memref<128x16xf32, #tpu.memory_space<vmem>> -> memref<104x16xf32, #tpu.memory_space<vmem>>
      tpu.wait_dma2 semaphore(%run_scoped3A : memref<!tpu.dma_semaphore, #tpu.memory_space<semaphore_mem>>) src(%dma_wait3A_239 : memref<104x16xf32, #tpu.memory_space<vmem>>) dst(%dma_wait3A_236 : memref<104x16xf32, #tpu.memory_space<vmem_shared>>)
      tpu.yield
    }) : () -> ()
    %mul3A_17 = arith.constant 624 : i32
    %mul3A_18 = arith.muli %arg1, %mul3A_17 : i32
    %add3A_19 = arith.constant 208 : i32
    %add3A_20 = arith.addi %mul3A_18, %add3A_19 : i32
    "tpu.region"() ({
      %run_scoped3A = tpu.sem_alloc : memref<!tpu.dma_semaphore, #tpu.memory_space<semaphore_mem>>
      %dma_start3A_220 = arith.constant 0 : i32
      %dma_start3A_221 = arith.constant 0 : i32
      %dma_start3A_222 = tpu.memref_slice %arg5[%dma_start3A_220, %dma_start3A_221] : memref<128x16xf32, #tpu.memory_space<vmem>> -> memref<104x16xf32, #tpu.memory_space<vmem>>
      %dma_start3A_223 = arith.constant 0 : i32
      %dma_start3A_224 = tpu.memref_slice %arg7[%add3A_20, %dma_start3A_223] : memref<10000x16xf32, #tpu.memory_space<vmem_shared>> -> memref<104x16xf32, #tpu.memory_space<vmem_shared>>
      %dma_start3A_225 = arith.constant 0 : i32
      %dma_start3A_226 = tpu.memref_slice %arg7[%add3A_20, %dma_start3A_225] : memref<10000x16xf32, #tpu.memory_space<vmem_shared>> -> memref<104x16xf32, #tpu.memory_space<vmem_shared>>
      %dma_start3A_227 = arith.constant 0 : i32
      %dma_start3A_228 = arith.constant 0 : i32
      %dma_start3A_229 = tpu.memref_slice %arg5[%dma_start3A_227, %dma_start3A_228] : memref<128x16xf32, #tpu.memory_space<vmem>> -> memref<104x16xf32, #tpu.memory_space<vmem>>
      tpu.enqueue_dma source(%dma_start3A_229 : memref<104x16xf32, #tpu.memory_space<vmem>>) target(%dma_start3A_226 : memref<104x16xf32, #tpu.memory_space<vmem_shared>>) target_semaphore(%run_scoped3A : memref<!tpu.dma_semaphore, #tpu.memory_space<semaphore_mem>>)
      %dma_wait3A_230 = arith.constant 0 : i32
      %dma_wait3A_231 = arith.constant 0 : i32
      %dma_wait3A_232 = tpu.memref_slice %arg5[%dma_wait3A_230, %dma_wait3A_231] : memref<128x16xf32, #tpu.memory_space<vmem>> -> memref<104x16xf32, #tpu.memory_space<vmem>>
      %dma_wait3A_233 = arith.constant 0 : i32
      %dma_wait3A_234 = tpu.memref_slice %arg7[%add3A_20, %dma_wait3A_233] : memref<10000x16xf32, #tpu.memory_space<vmem_shared>> -> memref<104x16xf32, #tpu.memory_space<vmem_shared>>
      %dma_wait3A_235 = arith.constant 0 : i32
      %dma_wait3A_236 = tpu.memref_slice %arg7[%add3A_20, %dma_wait3A_235] : memref<10000x16xf32, #tpu.memory_space<vmem_shared>> -> memref<104x16xf32, #tpu.memory_space<vmem_shared>>
      %dma_wait3A_237 = arith.constant 0 : i32
      %dma_wait3A_238 = arith.constant 0 : i32
      %dma_wait3A_239 = tpu.memref_slice %arg5[%dma_wait3A_237, %dma_wait3A_238] : memref<128x16xf32, #tpu.memory_space<vmem>> -> memref<104x16xf32, #tpu.memory_space<vmem>>
      tpu.wait_dma2 semaphore(%run_scoped3A : memref<!tpu.dma_semaphore, #tpu.memory_space<semaphore_mem>>) src(%dma_wait3A_239 : memref<104x16xf32, #tpu.memory_space<vmem>>) dst(%dma_wait3A_236 : memref<104x16xf32, #tpu.memory_space<vmem_shared>>)
      tpu.yield
    }) : () -> ()
    %mul3A_21 = arith.constant 624 : i32
    %mul3A_22 = arith.muli %arg1, %mul3A_21 : i32
    %add3A_23 = arith.constant 312 : i32
    %add3A_24 = arith.addi %mul3A_22, %add3A_23 : i32
    "tpu.region"() ({
      %run_scoped3A = tpu.sem_alloc : memref<!tpu.dma_semaphore, #tpu.memory_space<semaphore_mem>>
      %dma_start3A_220 = arith.constant 0 : i32
      %dma_start3A_221 = arith.constant 0 : i32
      %dma_start3A_222 = tpu.memref_slice %arg5[%dma_start3A_220, %dma_start3A_221] : memref<128x16xf32, #tpu.memory_space<vmem>> -> memref<104x16xf32, #tpu.memory_space<vmem>>
      %dma_start3A_223 = arith.constant 0 : i32
      %dma_start3A_224 = tpu.memref_slice %arg7[%add3A_24, %dma_start3A_223] : memref<10000x16xf32, #tpu.memory_space<vmem_shared>> -> memref<104x16xf32, #tpu.memory_space<vmem_shared>>
      %dma_start3A_225 = arith.constant 0 : i32
      %dma_start3A_226 = tpu.memref_slice %arg7[%add3A_24, %dma_start3A_225] : memref<10000x16xf32, #tpu.memory_space<vmem_shared>> -> memref<104x16xf32, #tpu.memory_space<vmem_shared>>
      %dma_start3A_227 = arith.constant 0 : i32
      %dma_start3A_228 = arith.constant 0 : i32
      %dma_start3A_229 = tpu.memref_slice %arg5[%dma_start3A_227, %dma_start3A_228] : memref<128x16xf32, #tpu.memory_space<vmem>> -> memref<104x16xf32, #tpu.memory_space<vmem>>
      tpu.enqueue_dma source(%dma_start3A_229 : memref<104x16xf32, #tpu.memory_space<vmem>>) target(%dma_start3A_226 : memref<104x16xf32, #tpu.memory_space<vmem_shared>>) target_semaphore(%run_scoped3A : memref<!tpu.dma_semaphore, #tpu.memory_space<semaphore_mem>>)
      %dma_wait3A_230 = arith.constant 0 : i32
      %dma_wait3A_231 = arith.constant 0 : i32
      %dma_wait3A_232 = tpu.memref_slice %arg5[%dma_wait3A_230, %dma_wait3A_231] : memref<128x16xf32, #tpu.memory_space<vmem>> -> memref<104x16xf32, #tpu.memory_space<vmem>>
      %dma_wait3A_233 = arith.constant 0 : i32
      %dma_wait3A_234 = tpu.memref_slice %arg7[%add3A_24, %dma_wait3A_233] : memref<10000x16xf32, #tpu.memory_space<vmem_shared>> -> memref<104x16xf32, #tpu.memory_space<vmem_shared>>
      %dma_wait3A_235 = arith.constant 0 : i32
      %dma_wait3A_236 = tpu.memref_slice %arg7[%add3A_24, %dma_wait3A_235] : memref<10000x16xf32, #tpu.memory_space<vmem_shared>> -> memref<104x16xf32, #tpu.memory_space<vmem_shared>>
      %dma_wait3A_237 = arith.constant 0 : i32
      %dma_wait3A_238 = arith.constant 0 : i32
      %dma_wait3A_239 = tpu.memref_slice %arg5[%dma_wait3A_237, %dma_wait3A_238] : memref<128x16xf32, #tpu.memory_space<vmem>> -> memref<104x16xf32, #tpu.memory_space<vmem>>
      tpu.wait_dma2 semaphore(%run_scoped3A : memref<!tpu.dma_semaphore, #tpu.memory_space<semaphore_mem>>) src(%dma_wait3A_239 : memref<104x16xf32, #tpu.memory_space<vmem>>) dst(%dma_wait3A_236 : memref<104x16xf32, #tpu.memory_space<vmem_shared>>)
      tpu.yield
    }) : () -> ()
    %mul3A_25 = arith.constant 624 : i32
    %mul3A_26 = arith.muli %arg1, %mul3A_25 : i32
    %add3A_27 = arith.constant 416 : i32
    %add3A_28 = arith.addi %mul3A_26, %add3A_27 : i32
    "tpu.region"() ({
      %run_scoped3A = tpu.sem_alloc : memref<!tpu.dma_semaphore, #tpu.memory_space<semaphore_mem>>
      %dma_start3A_220 = arith.constant 0 : i32
      %dma_start3A_221 = arith.constant 0 : i32
      %dma_start3A_222 = tpu.memref_slice %arg5[%dma_start3A_220, %dma_start3A_221] : memref<128x16xf32, #tpu.memory_space<vmem>> -> memref<104x16xf32, #tpu.memory_space<vmem>>
      %dma_start3A_223 = arith.constant 0 : i32
      %dma_start3A_224 = tpu.memref_slice %arg7[%add3A_28, %dma_start3A_223] : memref<10000x16xf32, #tpu.memory_space<vmem_shared>> -> memref<104x16xf32, #tpu.memory_space<vmem_shared>>
      %dma_start3A_225 = arith.constant 0 : i32
      %dma_start3A_226 = tpu.memref_slice %arg7[%add3A_28, %dma_start3A_225] : memref<10000x16xf32, #tpu.memory_space<vmem_shared>> -> memref<104x16xf32, #tpu.memory_space<vmem_shared>>
      %dma_start3A_227 = arith.constant 0 : i32
      %dma_start3A_228 = arith.constant 0 : i32
      %dma_start3A_229 = tpu.memref_slice %arg5[%dma_start3A_227, %dma_start3A_228] : memref<128x16xf32, #tpu.memory_space<vmem>> -> memref<104x16xf32, #tpu.memory_space<vmem>>
      tpu.enqueue_dma source(%dma_start3A_229 : memref<104x16xf32, #tpu.memory_space<vmem>>) target(%dma_start3A_226 : memref<104x16xf32, #tpu.memory_space<vmem_shared>>) target_semaphore(%run_scoped3A : memref<!tpu.dma_semaphore, #tpu.memory_space<semaphore_mem>>)
      %dma_wait3A_230 = arith.constant 0 : i32
      %dma_wait3A_231 = arith.constant 0 : i32
      %dma_wait3A_232 = tpu.memref_slice %arg5[%dma_wait3A_230, %dma_wait3A_231] : memref<128x16xf32, #tpu.memory_space<vmem>> -> memref<104x16xf32, #tpu.memory_space<vmem>>
      %dma_wait3A_233 = arith.constant 0 : i32
      %dma_wait3A_234 = tpu.memref_slice %arg7[%add3A_28, %dma_wait3A_233] : memref<10000x16xf32, #tpu.memory_space<vmem_shared>> -> memref<104x16xf32, #tpu.memory_space<vmem_shared>>
      %dma_wait3A_235 = arith.constant 0 : i32
      %dma_wait3A_236 = tpu.memref_slice %arg7[%add3A_28, %dma_wait3A_235] : memref<10000x16xf32, #tpu.memory_space<vmem_shared>> -> memref<104x16xf32, #tpu.memory_space<vmem_shared>>
      %dma_wait3A_237 = arith.constant 0 : i32
      %dma_wait3A_238 = arith.constant 0 : i32
      %dma_wait3A_239 = tpu.memref_slice %arg5[%dma_wait3A_237, %dma_wait3A_238] : memref<128x16xf32, #tpu.memory_space<vmem>> -> memref<104x16xf32, #tpu.memory_space<vmem>>
      tpu.wait_dma2 semaphore(%run_scoped3A : memref<!tpu.dma_semaphore, #tpu.memory_space<semaphore_mem>>) src(%dma_wait3A_239 : memref<104x16xf32, #tpu.memory_space<vmem>>) dst(%dma_wait3A_236 : memref<104x16xf32, #tpu.memory_space<vmem_shared>>)
      tpu.yield
    }) : () -> ()
    %mul3A_29 = arith.constant 624 : i32
    %mul3A_30 = arith.muli %arg1, %mul3A_29 : i32
    %add3A_31 = arith.constant 520 : i32
    %add3A_32 = arith.addi %mul3A_30, %add3A_31 : i32
    "tpu.region"() ({
      %run_scoped3A = tpu.sem_alloc : memref<!tpu.dma_semaphore, #tpu.memory_space<semaphore_mem>>
      %dma_start3A_220 = arith.constant 0 : i32
      %dma_start3A_221 = arith.constant 0 : i32
      %dma_start3A_222 = tpu.memref_slice %arg5[%dma_start3A_220, %dma_start3A_221] : memref<128x16xf32, #tpu.memory_space<vmem>> -> memref<104x16xf32, #tpu.memory_space<vmem>>
      %dma_start3A_223 = arith.constant 0 : i32
      %dma_start3A_224 = tpu.memref_slice %arg7[%add3A_32, %dma_start3A_223] : memref<10000x16xf32, #tpu.memory_space<vmem_shared>> -> memref<104x16xf32, #tpu.memory_space<vmem_shared>>
      %dma_start3A_225 = arith.constant 0 : i32
      %dma_start3A_226 = tpu.memref_slice %arg7[%add3A_32, %dma_start3A_225] : memref<10000x16xf32, #tpu.memory_space<vmem_shared>> -> memref<104x16xf32, #tpu.memory_space<vmem_shared>>
      %dma_start3A_227 = arith.constant 0 : i32
      %dma_start3A_228 = arith.constant 0 : i32
      %dma_start3A_229 = tpu.memref_slice %arg5[%dma_start3A_227, %dma_start3A_228] : memref<128x16xf32, #tpu.memory_space<vmem>> -> memref<104x16xf32, #tpu.memory_space<vmem>>
      tpu.enqueue_dma source(%dma_start3A_229 : memref<104x16xf32, #tpu.memory_space<vmem>>) target(%dma_start3A_226 : memref<104x16xf32, #tpu.memory_space<vmem_shared>>) target_semaphore(%run_scoped3A : memref<!tpu.dma_semaphore, #tpu.memory_space<semaphore_mem>>)
      %dma_wait3A_230 = arith.constant 0 : i32
      %dma_wait3A_231 = arith.constant 0 : i32
      %dma_wait3A_232 = tpu.memref_slice %arg5[%dma_wait3A_230, %dma_wait3A_231] : memref<128x16xf32, #tpu.memory_space<vmem>> -> memref<104x16xf32, #tpu.memory_space<vmem>>
      %dma_wait3A_233 = arith.constant 0 : i32
      %dma_wait3A_234 = tpu.memref_slice %arg7[%add3A_32, %dma_wait3A_233] : memref<10000x16xf32, #tpu.memory_space<vmem_shared>> -> memref<104x16xf32, #tpu.memory_space<vmem_shared>>
      %dma_wait3A_235 = arith.constant 0 : i32
      %dma_wait3A_236 = tpu.memref_slice %arg7[%add3A_32, %dma_wait3A_235] : memref<10000x16xf32, #tpu.memory_space<vmem_shared>> -> memref<104x16xf32, #tpu.memory_space<vmem_shared>>
      %dma_wait3A_237 = arith.constant 0 : i32
      %dma_wait3A_238 = arith.constant 0 : i32
      %dma_wait3A_239 = tpu.memref_slice %arg5[%dma_wait3A_237, %dma_wait3A_238] : memref<128x16xf32, #tpu.memory_space<vmem>> -> memref<104x16xf32, #tpu.memory_space<vmem>>
      tpu.wait_dma2 semaphore(%run_scoped3A : memref<!tpu.dma_semaphore, #tpu.memory_space<semaphore_mem>>) src(%dma_wait3A_239 : memref<104x16xf32, #tpu.memory_space<vmem>>) dst(%dma_wait3A_236 : memref<104x16xf32, #tpu.memory_space<vmem_shared>>)
      tpu.yield
    }) : () -> ()
    %eq3A = arith.constant 0 : i32
    %eq3A_33 = arith.cmpi eq, %arg1, %eq3A : i32
    %convert_element_type3A = arith.extui %eq3A_33 : i1 to i32
    %cond3A = arith.constant 0 : i32
    %cond3A_34 = arith.cmpi ne, %convert_element_type3A, %cond3A : i32
    scf.if %cond3A_34 {
      "tpu.region"() ({
        %run_scoped3A = tpu.sem_alloc : memref<!tpu.dma_semaphore, #tpu.memory_space<semaphore_mem>>
        %dma_start3A_220 = arith.constant 0 : i32
        %dma_start3A_221 = arith.constant 0 : i32
        %dma_start3A_222 = tpu.memref_slice %arg5[%dma_start3A_220, %dma_start3A_221] : memref<128x16xf32, #tpu.memory_space<vmem>> -> memref<16x16xf32, #tpu.memory_space<vmem>>
        %dma_start3A_223 = arith.constant 9984 : i32
        %dma_start3A_224 = arith.constant 0 : i32
        %dma_start3A_225 = tpu.memref_slice %arg7[%dma_start3A_223, %dma_start3A_224] : memref<10000x16xf32, #tpu.memory_space<vmem_shared>> -> memref<16x16xf32, #tpu.memory_space<vmem_shared>>
        %dma_start3A_226 = arith.constant 9984 : i32
        %dma_start3A_227 = arith.constant 0 : i32
        %dma_start3A_228 = tpu.memref_slice %arg7[%dma_start3A_226, %dma_start3A_227] : memref<10000x16xf32, #tpu.memory_space<vmem_shared>> -> memref<16x16xf32, #tpu.memory_space<vmem_shared>>
        %dma_start3A_229 = arith.constant 0 : i32
        %dma_start3A_230 = arith.constant 0 : i32
        %dma_start3A_231 = tpu.memref_slice %arg5[%dma_start3A_229, %dma_start3A_230] : memref<128x16xf32, #tpu.memory_space<vmem>> -> memref<16x16xf32, #tpu.memory_space<vmem>>
        tpu.enqueue_dma source(%dma_start3A_231 : memref<16x16xf32, #tpu.memory_space<vmem>>) target(%dma_start3A_228 : memref<16x16xf32, #tpu.memory_space<vmem_shared>>) target_semaphore(%run_scoped3A : memref<!tpu.dma_semaphore, #tpu.memory_space<semaphore_mem>>)
        %dma_wait3A_232 = arith.constant 0 : i32
        %dma_wait3A_233 = arith.constant 0 : i32
        %dma_wait3A_234 = tpu.memref_slice %arg5[%dma_wait3A_232, %dma_wait3A_233] : memref<128x16xf32, #tpu.memory_space<vmem>> -> memref<16x16xf32, #tpu.memory_space<vmem>>
        %dma_wait3A_235 = arith.constant 9984 : i32
        %dma_wait3A_236 = arith.constant 0 : i32
        %dma_wait3A_237 = tpu.memref_slice %arg7[%dma_wait3A_235, %dma_wait3A_236] : memref<10000x16xf32, #tpu.memory_space<vmem_shared>> -> memref<16x16xf32, #tpu.memory_space<vmem_shared>>
        %dma_wait3A_238 = arith.constant 9984 : i32
        %dma_wait3A_239 = arith.constant 0 : i32
        %dma_wait3A_240 = tpu.memref_slice %arg7[%dma_wait3A_238, %dma_wait3A_239] : memref<10000x16xf32, #tpu.memory_space<vmem_shared>> -> memref<16x16xf32, #tpu.memory_space<vmem_shared>>
        %dma_wait3A_241 = arith.constant 0 : i32
        %dma_wait3A_242 = arith.constant 0 : i32
        %dma_wait3A_243 = tpu.memref_slice %arg5[%dma_wait3A_241, %dma_wait3A_242] : memref<128x16xf32, #tpu.memory_space<vmem>> -> memref<16x16xf32, #tpu.memory_space<vmem>>
        tpu.wait_dma2 semaphore(%run_scoped3A : memref<!tpu.dma_semaphore, #tpu.memory_space<semaphore_mem>>) src(%dma_wait3A_243 : memref<16x16xf32, #tpu.memory_space<vmem>>) dst(%dma_wait3A_240 : memref<16x16xf32, #tpu.memory_space<vmem_shared>>)
        tpu.yield
      }) : () -> ()
    } else {
    }
    %barrier3A = arith.constant 0 : index
    tpu.barrier barrier_id(%barrier3A)
    %scan3A_35 = arith.constant 0 : i32
    %scan3A_36 = arith.constant 0 : i32
    %scan3A_37 = arith.constant 128 : i32
    %scan3A_38 = arith.addi %scan3A_36, %scan3A_37 : i32
    %scan3A_39 = arith.constant 1 : i32
    %scan3A_40 = scf.for %scan3A_220 = %scan3A_36 to %scan3A_38 step %scan3A_39 iter_args(%scan3A_221 = %scan3A_35) -> (i32)  : i32 {
      %broadcast_in_dim3A = arith.constant 1.000000e+00 : f32
      %broadcast_in_dim3A_222 = vector.broadcast %broadcast_in_dim3A : f32 to vector<16xf32>
      %swap3A = arith.index_cast %scan3A_220 : i32 to index
      %swap3A_223 = arith.constant 0 : index
      %swap3A_224 = tpu.vector_load %arg5[%swap3A, %swap3A_223] {strides = array<i32>} : memref<128x16xf32, #tpu.memory_space<vmem>>, vector<1x16xf32>,
      %swap3A_225 = vector.shape_cast %swap3A_224 : vector<1x16xf32> to vector<16xf32>
      %swap3A_226 = vector.shape_cast %broadcast_in_dim3A_222 : vector<16xf32> to vector<1x16xf32>
      tpu.vector_store %arg5[%swap3A, %swap3A_223], %swap3A_226 {strides = array<i32>} : memref<128x16xf32, #tpu.memory_space<vmem>>, vector<1x16xf32>,
      %scan3A_227 = arith.constant 0 : i32
      scf.yield %scan3A_227 : i32
    }
    %scan3A_41 = arith.constant 128 : i32
    %dma_start3A = arith.constant 0 : i32
    %dma_start3A_42 = arith.constant 0 : i32
    %dma_start3A_43 = arith.constant 0 : i32
    %dma_start3A_44 = tpu.memref_slice %arg5[%dma_start3A_42, %dma_start3A_43] : memref<128x16xf32, #tpu.memory_space<vmem>> -> memref<125x16xf32, #tpu.memory_space<vmem>>
    %dma_start3A_45 = arith.constant 0 : i32
    %dma_start3A_46 = tpu.memref_slice %arg4[%dma_start3A, %dma_start3A_45] : memref<80x125xi32, #tpu.memory_space<vmem>> -> memref<1x125xi32, #tpu.memory_space<vmem>>
    %dma_start3A_47 = tpu.memref_squeeze %dma_start3A_46 : memref<1x125xi32, #tpu.memory_space<vmem>> -> memref<125xi32, #tpu.memory_space<vmem>>
    %dma_start3A_48 = arith.constant 0 : i32
    %dma_start3A_49 = arith.constant 0 : i32
    %dma_start3A_50 = tpu.memref_slice %arg7[%dma_start3A_48, %dma_start3A_49] : memref<10000x16xf32, #tpu.memory_space<vmem_shared>> -> memref<10000x16xf32, #tpu.memory_space<vmem_shared>>
    tpu.enqueue_indirect_dma source(%dma_start3A_44 : memref<125x16xf32, #tpu.memory_space<vmem>>) target(%dma_start3A_50 : memref<10000x16xf32, #tpu.memory_space<vmem_shared>>) offsets(%dma_start3A_47 : memref<125xi32, #tpu.memory_space<vmem>>) semaphore(%arg6 : memref<!tpu.dma_semaphore, #tpu.memory_space<semaphore_mem>>) {add = true}
    %dma_start3A_51 = arith.constant 1 : i32
    %dma_start3A_52 = arith.constant 0 : i32
    %dma_start3A_53 = arith.constant 0 : i32
    %dma_start3A_54 = tpu.memref_slice %arg5[%dma_start3A_52, %dma_start3A_53] : memref<128x16xf32, #tpu.memory_space<vmem>> -> memref<125x16xf32, #tpu.memory_space<vmem>>
    %dma_start3A_55 = arith.constant 0 : i32
    %dma_start3A_56 = tpu.memref_slice %arg4[%dma_start3A_51, %dma_start3A_55] : memref<80x125xi32, #tpu.memory_space<vmem>> -> memref<1x125xi32, #tpu.memory_space<vmem>>
    %dma_start3A_57 = tpu.memref_squeeze %dma_start3A_56 : memref<1x125xi32, #tpu.memory_space<vmem>> -> memref<125xi32, #tpu.memory_space<vmem>>
    %dma_start3A_58 = arith.constant 0 : i32
    %dma_start3A_59 = arith.constant 0 : i32
    %dma_start3A_60 = tpu.memref_slice %arg7[%dma_start3A_58, %dma_start3A_59] : memref<10000x16xf32, #tpu.memory_space<vmem_shared>> -> memref<10000x16xf32, #tpu.memory_space<vmem_shared>>
    tpu.enqueue_indirect_dma source(%dma_start3A_54 : memref<125x16xf32, #tpu.memory_space<vmem>>) target(%dma_start3A_60 : memref<10000x16xf32, #tpu.memory_space<vmem_shared>>) offsets(%dma_start3A_57 : memref<125xi32, #tpu.memory_space<vmem>>) semaphore(%arg6 : memref<!tpu.dma_semaphore, #tpu.memory_space<semaphore_mem>>) {add = true}
    %dma_start3A_61 = arith.constant 2 : i32
    %dma_start3A_62 = arith.constant 0 : i32
    %dma_start3A_63 = arith.constant 0 : i32
    %dma_start3A_64 = tpu.memref_slice %arg5[%dma_start3A_62, %dma_start3A_63] : memref<128x16xf32, #tpu.memory_space<vmem>> -> memref<125x16xf32, #tpu.memory_space<vmem>>
    %dma_start3A_65 = arith.constant 0 : i32
    %dma_start3A_66 = tpu.memref_slice %arg4[%dma_start3A_61, %dma_start3A_65] : memref<80x125xi32, #tpu.memory_space<vmem>> -> memref<1x125xi32, #tpu.memory_space<vmem>>
    %dma_start3A_67 = tpu.memref_squeeze %dma_start3A_66 : memref<1x125xi32, #tpu.memory_space<vmem>> -> memref<125xi32, #tpu.memory_space<vmem>>
    %dma_start3A_68 = arith.constant 0 : i32
    %dma_start3A_69 = arith.constant 0 : i32
    %dma_start3A_70 = tpu.memref_slice %arg7[%dma_start3A_68, %dma_start3A_69] : memref<10000x16xf32, #tpu.memory_space<vmem_shared>> -> memref<10000x16xf32, #tpu.memory_space<vmem_shared>>
    tpu.enqueue_indirect_dma source(%dma_start3A_64 : memref<125x16xf32, #tpu.memory_space<vmem>>) target(%dma_start3A_70 : memref<10000x16xf32, #tpu.memory_space<vmem_shared>>) offsets(%dma_start3A_67 : memref<125xi32, #tpu.memory_space<vmem>>) semaphore(%arg6 : memref<!tpu.dma_semaphore, #tpu.memory_space<semaphore_mem>>) {add = true}
    %dma_start3A_71 = arith.constant 3 : i32
    %dma_start3A_72 = arith.constant 0 : i32
    %dma_start3A_73 = arith.constant 0 : i32
    %dma_start3A_74 = tpu.memref_slice %arg5[%dma_start3A_72, %dma_start3A_73] : memref<128x16xf32, #tpu.memory_space<vmem>> -> memref<125x16xf32, #tpu.memory_space<vmem>>
    %dma_start3A_75 = arith.constant 0 : i32
    %dma_start3A_76 = tpu.memref_slice %arg4[%dma_start3A_71, %dma_start3A_75] : memref<80x125xi32, #tpu.memory_space<vmem>> -> memref<1x125xi32, #tpu.memory_space<vmem>>
    %dma_start3A_77 = tpu.memref_squeeze %dma_start3A_76 : memref<1x125xi32, #tpu.memory_space<vmem>> -> memref<125xi32, #tpu.memory_space<vmem>>
    %dma_start3A_78 = arith.constant 0 : i32
    %dma_start3A_79 = arith.constant 0 : i32
    %dma_start3A_80 = tpu.memref_slice %arg7[%dma_start3A_78, %dma_start3A_79] : memref<10000x16xf32, #tpu.memory_space<vmem_shared>> -> memref<10000x16xf32, #tpu.memory_space<vmem_shared>>
    tpu.enqueue_indirect_dma source(%dma_start3A_74 : memref<125x16xf32, #tpu.memory_space<vmem>>) target(%dma_start3A_80 : memref<10000x16xf32, #tpu.memory_space<vmem_shared>>) offsets(%dma_start3A_77 : memref<125xi32, #tpu.memory_space<vmem>>) semaphore(%arg6 : memref<!tpu.dma_semaphore, #tpu.memory_space<semaphore_mem>>) {add = true}
    %dma_start3A_81 = arith.constant 4 : i32
    %dma_start3A_82 = arith.constant 0 : i32
    %dma_start3A_83 = arith.constant 0 : i32
    %dma_start3A_84 = tpu.memref_slice %arg5[%dma_start3A_82, %dma_start3A_83] : memref<128x16xf32, #tpu.memory_space<vmem>> -> memref<125x16xf32, #tpu.memory_space<vmem>>
    %dma_start3A_85 = arith.constant 0 : i32
    %dma_start3A_86 = tpu.memref_slice %arg4[%dma_start3A_81, %dma_start3A_85] : memref<80x125xi32, #tpu.memory_space<vmem>> -> memref<1x125xi32, #tpu.memory_space<vmem>>
    %dma_start3A_87 = tpu.memref_squeeze %dma_start3A_86 : memref<1x125xi32, #tpu.memory_space<vmem>> -> memref<125xi32, #tpu.memory_space<vmem>>
    %dma_start3A_88 = arith.constant 0 : i32
    %dma_start3A_89 = arith.constant 0 : i32
    %dma_start3A_90 = tpu.memref_slice %arg7[%dma_start3A_88, %dma_start3A_89] : memref<10000x16xf32, #tpu.memory_space<vmem_shared>> -> memref<10000x16xf32, #tpu.memory_space<vmem_shared>>
    tpu.enqueue_indirect_dma source(%dma_start3A_84 : memref<125x16xf32, #tpu.memory_space<vmem>>) target(%dma_start3A_90 : memref<10000x16xf32, #tpu.memory_space<vmem_shared>>) offsets(%dma_start3A_87 : memref<125xi32, #tpu.memory_space<vmem>>) semaphore(%arg6 : memref<!tpu.dma_semaphore, #tpu.memory_space<semaphore_mem>>) {add = true}
    %dma_start3A_91 = arith.constant 5 : i32
    %dma_start3A_92 = arith.constant 0 : i32
    %dma_start3A_93 = arith.constant 0 : i32
    %dma_start3A_94 = tpu.memref_slice %arg5[%dma_start3A_92, %dma_start3A_93] : memref<128x16xf32, #tpu.memory_space<vmem>> -> memref<125x16xf32, #tpu.memory_space<vmem>>
    %dma_start3A_95 = arith.constant 0 : i32
    %dma_start3A_96 = tpu.memref_slice %arg4[%dma_start3A_91, %dma_start3A_95] : memref<80x125xi32, #tpu.memory_space<vmem>> -> memref<1x125xi32, #tpu.memory_space<vmem>>
    %dma_start3A_97 = tpu.memref_squeeze %dma_start3A_96 : memref<1x125xi32, #tpu.memory_space<vmem>> -> memref<125xi32, #tpu.memory_space<vmem>>
    %dma_start3A_98 = arith.constant 0 : i32
    %dma_start3A_99 = arith.constant 0 : i32
    %dma_start3A_100 = tpu.memref_slice %arg7[%dma_start3A_98, %dma_start3A_99] : memref<10000x16xf32, #tpu.memory_space<vmem_shared>> -> memref<10000x16xf32, #tpu.memory_space<vmem_shared>>
    tpu.enqueue_indirect_dma source(%dma_start3A_94 : memref<125x16xf32, #tpu.memory_space<vmem>>) target(%dma_start3A_100 : memref<10000x16xf32, #tpu.memory_space<vmem_shared>>) offsets(%dma_start3A_97 : memref<125xi32, #tpu.memory_space<vmem>>) semaphore(%arg6 : memref<!tpu.dma_semaphore, #tpu.memory_space<semaphore_mem>>) {add = true}
    %dma_start3A_101 = arith.constant 6 : i32
    %dma_start3A_102 = arith.constant 0 : i32
    %dma_start3A_103 = arith.constant 0 : i32
    %dma_start3A_104 = tpu.memref_slice %arg5[%dma_start3A_102, %dma_start3A_103] : memref<128x16xf32, #tpu.memory_space<vmem>> -> memref<125x16xf32, #tpu.memory_space<vmem>>
    %dma_start3A_105 = arith.constant 0 : i32
    %dma_start3A_106 = tpu.memref_slice %arg4[%dma_start3A_101, %dma_start3A_105] : memref<80x125xi32, #tpu.memory_space<vmem>> -> memref<1x125xi32, #tpu.memory_space<vmem>>
    %dma_start3A_107 = tpu.memref_squeeze %dma_start3A_106 : memref<1x125xi32, #tpu.memory_space<vmem>> -> memref<125xi32, #tpu.memory_space<vmem>>
    %dma_start3A_108 = arith.constant 0 : i32
    %dma_start3A_109 = arith.constant 0 : i32
    %dma_start3A_110 = tpu.memref_slice %arg7[%dma_start3A_108, %dma_start3A_109] : memref<10000x16xf32, #tpu.memory_space<vmem_shared>> -> memref<10000x16xf32, #tpu.memory_space<vmem_shared>>
    tpu.enqueue_indirect_dma source(%dma_start3A_104 : memref<125x16xf32, #tpu.memory_space<vmem>>) target(%dma_start3A_110 : memref<10000x16xf32, #tpu.memory_space<vmem_shared>>) offsets(%dma_start3A_107 : memref<125xi32, #tpu.memory_space<vmem>>) semaphore(%arg6 : memref<!tpu.dma_semaphore, #tpu.memory_space<semaphore_mem>>) {add = true}
    %dma_start3A_111 = arith.constant 7 : i32
    %dma_start3A_112 = arith.constant 0 : i32
    %dma_start3A_113 = arith.constant 0 : i32
    %dma_start3A_114 = tpu.memref_slice %arg5[%dma_start3A_112, %dma_start3A_113] : memref<128x16xf32, #tpu.memory_space<vmem>> -> memref<125x16xf32, #tpu.memory_space<vmem>>
    %dma_start3A_115 = arith.constant 0 : i32
    %dma_start3A_116 = tpu.memref_slice %arg4[%dma_start3A_111, %dma_start3A_115] : memref<80x125xi32, #tpu.memory_space<vmem>> -> memref<1x125xi32, #tpu.memory_space<vmem>>
    %dma_start3A_117 = tpu.memref_squeeze %dma_start3A_116 : memref<1x125xi32, #tpu.memory_space<vmem>> -> memref<125xi32, #tpu.memory_space<vmem>>
    %dma_start3A_118 = arith.constant 0 : i32
    %dma_start3A_119 = arith.constant 0 : i32
    %dma_start3A_120 = tpu.memref_slice %arg7[%dma_start3A_118, %dma_start3A_119] : memref<10000x16xf32, #tpu.memory_space<vmem_shared>> -> memref<10000x16xf32, #tpu.memory_space<vmem_shared>>
    tpu.enqueue_indirect_dma source(%dma_start3A_114 : memref<125x16xf32, #tpu.memory_space<vmem>>) target(%dma_start3A_120 : memref<10000x16xf32, #tpu.memory_space<vmem_shared>>) offsets(%dma_start3A_117 : memref<125xi32, #tpu.memory_space<vmem>>) semaphore(%arg6 : memref<!tpu.dma_semaphore, #tpu.memory_space<semaphore_mem>>) {add = true}
    %scan3A_121 = arith.constant 0 : i32
    %scan3A_122 = arith.constant 0 : i32
    %scan3A_123 = arith.constant 72 : i32
    %scan3A_124 = arith.addi %scan3A_122, %scan3A_123 : i32
    %scan3A_125 = arith.constant 1 : i32
    %scan3A_126 = scf.for %scan3A_220 = %scan3A_122 to %scan3A_124 step %scan3A_125 iter_args(%scan3A_221 = %scan3A_121) -> (i32)  : i32 {
      %dma_wait3A_222 = arith.constant 0 : i32
      %dma_wait3A_223 = arith.constant 0 : i32
      %dma_wait3A_224 = tpu.memref_slice %arg5[%dma_wait3A_222, %dma_wait3A_223] : memref<128x16xf32, #tpu.memory_space<vmem>> -> memref<125x16xf32, #tpu.memory_space<vmem>>
      %dma_wait3A_225 = arith.constant 0 : i32
      %dma_wait3A_226 = tpu.memref_slice %arg4[%scan3A_220, %dma_wait3A_225] : memref<80x125xi32, #tpu.memory_space<vmem>> -> memref<1x125xi32, #tpu.memory_space<vmem>>
      %dma_wait3A_227 = tpu.memref_squeeze %dma_wait3A_226 : memref<1x125xi32, #tpu.memory_space<vmem>> -> memref<125xi32, #tpu.memory_space<vmem>>
      %dma_wait3A_228 = arith.constant 0 : i32
      %dma_wait3A_229 = arith.constant 0 : i32
      %dma_wait3A_230 = tpu.memref_slice %arg7[%dma_wait3A_228, %dma_wait3A_229] : memref<10000x16xf32, #tpu.memory_space<vmem_shared>> -> memref<10000x16xf32, #tpu.memory_space<vmem_shared>>
      tpu.wait_indirect_dma semaphore(%arg6 : memref<!tpu.dma_semaphore, #tpu.memory_space<semaphore_mem>>) src(%dma_wait3A_224 : memref<125x16xf32, #tpu.memory_space<vmem>>) dst(%dma_wait3A_230 : memref<10000x16xf32, #tpu.memory_space<vmem_shared>>)
      %add3A_231 = arith.constant 8 : i32
      %add3A_232 = arith.addi %scan3A_220, %add3A_231 : i32
      %dma_start3A_233 = arith.constant 0 : i32
      %dma_start3A_234 = arith.constant 0 : i32
      %dma_start3A_235 = tpu.memref_slice %arg5[%dma_start3A_233, %dma_start3A_234] : memref<128x16xf32, #tpu.memory_space<vmem>> -> memref<125x16xf32, #tpu.memory_space<vmem>>
      %dma_start3A_236 = arith.constant 0 : i32
      %dma_start3A_237 = tpu.memref_slice %arg4[%add3A_232, %dma_start3A_236] : memref<80x125xi32, #tpu.memory_space<vmem>> -> memref<1x125xi32, #tpu.memory_space<vmem>>
      %dma_start3A_238 = tpu.memref_squeeze %dma_start3A_237 : memref<1x125xi32, #tpu.memory_space<vmem>> -> memref<125xi32, #tpu.memory_space<vmem>>
      %dma_start3A_239 = arith.constant 0 : i32
      %dma_start3A_240 = arith.constant 0 : i32
      %dma_start3A_241 = tpu.memref_slice %arg7[%dma_start3A_239, %dma_start3A_240] : memref<10000x16xf32, #tpu.memory_space<vmem_shared>> -> memref<10000x16xf32, #tpu.memory_space<vmem_shared>>
      tpu.enqueue_indirect_dma source(%dma_start3A_235 : memref<125x16xf32, #tpu.memory_space<vmem>>) target(%dma_start3A_241 : memref<10000x16xf32, #tpu.memory_space<vmem_shared>>) offsets(%dma_start3A_238 : memref<125xi32, #tpu.memory_space<vmem>>) semaphore(%arg6 : memref<!tpu.dma_semaphore, #tpu.memory_space<semaphore_mem>>) {add = true}
      %scan3A_242 = arith.constant 0 : i32
      scf.yield %scan3A_242 : i32
    }
    %scan3A_127 = arith.constant 72 : i32
    %dma_wait3A = arith.constant 0 : i32
    %dma_wait3A_128 = arith.constant 0 : i32
    %dma_wait3A_129 = arith.constant 0 : i32
    %dma_wait3A_130 = tpu.memref_slice %arg5[%dma_wait3A_128, %dma_wait3A_129] : memref<128x16xf32, #tpu.memory_space<vmem>> -> memref<125x16xf32, #tpu.memory_space<vmem>>
    %dma_wait3A_131 = arith.constant 0 : i32
    %dma_wait3A_132 = tpu.memref_slice %arg4[%dma_wait3A, %dma_wait3A_131] : memref<80x125xi32, #tpu.memory_space<vmem>> -> memref<1x125xi32, #tpu.memory_space<vmem>>
    %dma_wait3A_133 = tpu.memref_squeeze %dma_wait3A_132 : memref<1x125xi32, #tpu.memory_space<vmem>> -> memref<125xi32, #tpu.memory_space<vmem>>
    %dma_wait3A_134 = arith.constant 0 : i32
    %dma_wait3A_135 = arith.constant 0 : i32
    %dma_wait3A_136 = tpu.memref_slice %arg7[%dma_wait3A_134, %dma_wait3A_135] : memref<10000x16xf32, #tpu.memory_space<vmem_shared>> -> memref<10000x16xf32, #tpu.memory_space<vmem_shared>>
    tpu.wait_indirect_dma semaphore(%arg6 : memref<!tpu.dma_semaphore, #tpu.memory_space<semaphore_mem>>) src(%dma_wait3A_130 : memref<125x16xf32, #tpu.memory_space<vmem>>) dst(%dma_wait3A_136 : memref<10000x16xf32, #tpu.memory_space<vmem_shared>>)
    %dma_wait3A_137 = arith.constant 1 : i32
    %dma_wait3A_138 = arith.constant 0 : i32
    %dma_wait3A_139 = arith.constant 0 : i32
    %dma_wait3A_140 = tpu.memref_slice %arg5[%dma_wait3A_138, %dma_wait3A_139] : memref<128x16xf32, #tpu.memory_space<vmem>> -> memref<125x16xf32, #tpu.memory_space<vmem>>
    %dma_wait3A_141 = arith.constant 0 : i32
    %dma_wait3A_142 = tpu.memref_slice %arg4[%dma_wait3A_137, %dma_wait3A_141] : memref<80x125xi32, #tpu.memory_space<vmem>> -> memref<1x125xi32, #tpu.memory_space<vmem>>
    %dma_wait3A_143 = tpu.memref_squeeze %dma_wait3A_142 : memref<1x125xi32, #tpu.memory_space<vmem>> -> memref<125xi32, #tpu.memory_space<vmem>>
    %dma_wait3A_144 = arith.constant 0 : i32
    %dma_wait3A_145 = arith.constant 0 : i32
    %dma_wait3A_146 = tpu.memref_slice %arg7[%dma_wait3A_144, %dma_wait3A_145] : memref<10000x16xf32, #tpu.memory_space<vmem_shared>> -> memref<10000x16xf32, #tpu.memory_space<vmem_shared>>
    tpu.wait_indirect_dma semaphore(%arg6 : memref<!tpu.dma_semaphore, #tpu.memory_space<semaphore_mem>>) src(%dma_wait3A_140 : memref<125x16xf32, #tpu.memory_space<vmem>>) dst(%dma_wait3A_146 : memref<10000x16xf32, #tpu.memory_space<vmem_shared>>)
    %dma_wait3A_147 = arith.constant 2 : i32
    %dma_wait3A_148 = arith.constant 0 : i32
    %dma_wait3A_149 = arith.constant 0 : i32
    %dma_wait3A_150 = tpu.memref_slice %arg5[%dma_wait3A_148, %dma_wait3A_149] : memref<128x16xf32, #tpu.memory_space<vmem>> -> memref<125x16xf32, #tpu.memory_space<vmem>>
    %dma_wait3A_151 = arith.constant 0 : i32
    %dma_wait3A_152 = tpu.memref_slice %arg4[%dma_wait3A_147, %dma_wait3A_151] : memref<80x125xi32, #tpu.memory_space<vmem>> -> memref<1x125xi32, #tpu.memory_space<vmem>>
    %dma_wait3A_153 = tpu.memref_squeeze %dma_wait3A_152 : memref<1x125xi32, #tpu.memory_space<vmem>> -> memref<125xi32, #tpu.memory_space<vmem>>
    %dma_wait3A_154 = arith.constant 0 : i32
    %dma_wait3A_155 = arith.constant 0 : i32
    %dma_wait3A_156 = tpu.memref_slice %arg7[%dma_wait3A_154, %dma_wait3A_155] : memref<10000x16xf32, #tpu.memory_space<vmem_shared>> -> memref<10000x16xf32, #tpu.memory_space<vmem_shared>>
    tpu.wait_indirect_dma semaphore(%arg6 : memref<!tpu.dma_semaphore, #tpu.memory_space<semaphore_mem>>) src(%dma_wait3A_150 : memref<125x16xf32, #tpu.memory_space<vmem>>) dst(%dma_wait3A_156 : memref<10000x16xf32, #tpu.memory_space<vmem_shared>>)
    %dma_wait3A_157 = arith.constant 3 : i32
    %dma_wait3A_158 = arith.constant 0 : i32
    %dma_wait3A_159 = arith.constant 0 : i32
    %dma_wait3A_160 = tpu.memref_slice %arg5[%dma_wait3A_158, %dma_wait3A_159] : memref<128x16xf32, #tpu.memory_space<vmem>> -> memref<125x16xf32, #tpu.memory_space<vmem>>
    %dma_wait3A_161 = arith.constant 0 : i32
    %dma_wait3A_162 = tpu.memref_slice %arg4[%dma_wait3A_157, %dma_wait3A_161] : memref<80x125xi32, #tpu.memory_space<vmem>> -> memref<1x125xi32, #tpu.memory_space<vmem>>
    %dma_wait3A_163 = tpu.memref_squeeze %dma_wait3A_162 : memref<1x125xi32, #tpu.memory_space<vmem>> -> memref<125xi32, #tpu.memory_space<vmem>>
    %dma_wait3A_164 = arith.constant 0 : i32
    %dma_wait3A_165 = arith.constant 0 : i32
    %dma_wait3A_166 = tpu.memref_slice %arg7[%dma_wait3A_164, %dma_wait3A_165] : memref<10000x16xf32, #tpu.memory_space<vmem_shared>> -> memref<10000x16xf32, #tpu.memory_space<vmem_shared>>
    tpu.wait_indirect_dma semaphore(%arg6 : memref<!tpu.dma_semaphore, #tpu.memory_space<semaphore_mem>>) src(%dma_wait3A_160 : memref<125x16xf32, #tpu.memory_space<vmem>>) dst(%dma_wait3A_166 : memref<10000x16xf32, #tpu.memory_space<vmem_shared>>)
    %dma_wait3A_167 = arith.constant 4 : i32
    %dma_wait3A_168 = arith.constant 0 : i32
    %dma_wait3A_169 = arith.constant 0 : i32
    %dma_wait3A_170 = tpu.memref_slice %arg5[%dma_wait3A_168, %dma_wait3A_169] : memref<128x16xf32, #tpu.memory_space<vmem>> -> memref<125x16xf32, #tpu.memory_space<vmem>>
    %dma_wait3A_171 = arith.constant 0 : i32
    %dma_wait3A_172 = tpu.memref_slice %arg4[%dma_wait3A_167, %dma_wait3A_171] : memref<80x125xi32, #tpu.memory_space<vmem>> -> memref<1x125xi32, #tpu.memory_space<vmem>>
    %dma_wait3A_173 = tpu.memref_squeeze %dma_wait3A_172 : memref<1x125xi32, #tpu.memory_space<vmem>> -> memref<125xi32, #tpu.memory_space<vmem>>
    %dma_wait3A_174 = arith.constant 0 : i32
    %dma_wait3A_175 = arith.constant 0 : i32
    %dma_wait3A_176 = tpu.memref_slice %arg7[%dma_wait3A_174, %dma_wait3A_175] : memref<10000x16xf32, #tpu.memory_space<vmem_shared>> -> memref<10000x16xf32, #tpu.memory_space<vmem_shared>>
    tpu.wait_indirect_dma semaphore(%arg6 : memref<!tpu.dma_semaphore, #tpu.memory_space<semaphore_mem>>) src(%dma_wait3A_170 : memref<125x16xf32, #tpu.memory_space<vmem>>) dst(%dma_wait3A_176 : memref<10000x16xf32, #tpu.memory_space<vmem_shared>>)
    %dma_wait3A_177 = arith.constant 5 : i32
    %dma_wait3A_178 = arith.constant 0 : i32
    %dma_wait3A_179 = arith.constant 0 : i32
    %dma_wait3A_180 = tpu.memref_slice %arg5[%dma_wait3A_178, %dma_wait3A_179] : memref<128x16xf32, #tpu.memory_space<vmem>> -> memref<125x16xf32, #tpu.memory_space<vmem>>
    %dma_wait3A_181 = arith.constant 0 : i32
    %dma_wait3A_182 = tpu.memref_slice %arg4[%dma_wait3A_177, %dma_wait3A_181] : memref<80x125xi32, #tpu.memory_space<vmem>> -> memref<1x125xi32, #tpu.memory_space<vmem>>
    %dma_wait3A_183 = tpu.memref_squeeze %dma_wait3A_182 : memref<1x125xi32, #tpu.memory_space<vmem>> -> memref<125xi32, #tpu.memory_space<vmem>>
    %dma_wait3A_184 = arith.constant 0 : i32
    %dma_wait3A_185 = arith.constant 0 : i32
    %dma_wait3A_186 = tpu.memref_slice %arg7[%dma_wait3A_184, %dma_wait3A_185] : memref<10000x16xf32, #tpu.memory_space<vmem_shared>> -> memref<10000x16xf32, #tpu.memory_space<vmem_shared>>
    tpu.wait_indirect_dma semaphore(%arg6 : memref<!tpu.dma_semaphore, #tpu.memory_space<semaphore_mem>>) src(%dma_wait3A_180 : memref<125x16xf32, #tpu.memory_space<vmem>>) dst(%dma_wait3A_186 : memref<10000x16xf32, #tpu.memory_space<vmem_shared>>)
    %dma_wait3A_187 = arith.constant 6 : i32
    %dma_wait3A_188 = arith.constant 0 : i32
    %dma_wait3A_189 = arith.constant 0 : i32
    %dma_wait3A_190 = tpu.memref_slice %arg5[%dma_wait3A_188, %dma_wait3A_189] : memref<128x16xf32, #tpu.memory_space<vmem>> -> memref<125x16xf32, #tpu.memory_space<vmem>>
    %dma_wait3A_191 = arith.constant 0 : i32
    %dma_wait3A_192 = tpu.memref_slice %arg4[%dma_wait3A_187, %dma_wait3A_191] : memref<80x125xi32, #tpu.memory_space<vmem>> -> memref<1x125xi32, #tpu.memory_space<vmem>>
    %dma_wait3A_193 = tpu.memref_squeeze %dma_wait3A_192 : memref<1x125xi32, #tpu.memory_space<vmem>> -> memref<125xi32, #tpu.memory_space<vmem>>
    %dma_wait3A_194 = arith.constant 0 : i32
    %dma_wait3A_195 = arith.constant 0 : i32
    %dma_wait3A_196 = tpu.memref_slice %arg7[%dma_wait3A_194, %dma_wait3A_195] : memref<10000x16xf32, #tpu.memory_space<vmem_shared>> -> memref<10000x16xf32, #tpu.memory_space<vmem_shared>>
    tpu.wait_indirect_dma semaphore(%arg6 : memref<!tpu.dma_semaphore, #tpu.memory_space<semaphore_mem>>) src(%dma_wait3A_190 : memref<125x16xf32, #tpu.memory_space<vmem>>) dst(%dma_wait3A_196 : memref<10000x16xf32, #tpu.memory_space<vmem_shared>>)
    %dma_wait3A_197 = arith.constant 7 : i32
    %dma_wait3A_198 = arith.constant 0 : i32
    %dma_wait3A_199 = arith.constant 0 : i32
    %dma_wait3A_200 = tpu.memref_slice %arg5[%dma_wait3A_198, %dma_wait3A_199] : memref<128x16xf32, #tpu.memory_space<vmem>> -> memref<125x16xf32, #tpu.memory_space<vmem>>
    %dma_wait3A_201 = arith.constant 0 : i32
    %dma_wait3A_202 = tpu.memref_slice %arg4[%dma_wait3A_197, %dma_wait3A_201] : memref<80x125xi32, #tpu.memory_space<vmem>> -> memref<1x125xi32, #tpu.memory_space<vmem>>
    %dma_wait3A_203 = tpu.memref_squeeze %dma_wait3A_202 : memref<1x125xi32, #tpu.memory_space<vmem>> -> memref<125xi32, #tpu.memory_space<vmem>>
    %dma_wait3A_204 = arith.constant 0 : i32
    %dma_wait3A_205 = arith.constant 0 : i32
    %dma_wait3A_206 = tpu.memref_slice %arg7[%dma_wait3A_204, %dma_wait3A_205] : memref<10000x16xf32, #tpu.memory_space<vmem_shared>> -> memref<10000x16xf32, #tpu.memory_space<vmem_shared>>
    tpu.wait_indirect_dma semaphore(%arg6 : memref<!tpu.dma_semaphore, #tpu.memory_space<semaphore_mem>>) src(%dma_wait3A_200 : memref<125x16xf32, #tpu.memory_space<vmem>>) dst(%dma_wait3A_206 : memref<10000x16xf32, #tpu.memory_space<vmem_shared>>)
    %barrier3A_207 = arith.constant 0 : index
    tpu.barrier barrier_id(%barrier3A_207)
    %mul3A_208 = arith.constant 624 : i32
    %mul3A_209 = arith.muli %arg1, %mul3A_208 : i32
    %mul3A_210 = arith.constant 10000 : i32
    %mul3A_211 = arith.muli %arg0, %mul3A_210 : i32
    %mul3A_212 = arith.constant 624 : i32
    %mul3A_213 = arith.muli %arg1, %mul3A_212 : i32
    %add3A_214 = arith.addi %mul3A_211, %mul3A_213 : i32
    "tpu.region"() ({
      %run_scoped3A = tpu.sem_alloc : memref<!tpu.dma_semaphore, #tpu.memory_space<semaphore_mem>>
      %dma_start3A_220 = arith.constant 0 : i32
      %dma_start3A_221 = tpu.memref_slice %arg3[%add3A_214, %dma_start3A_220] : memref<20000x16xf32, #tpu.memory_space<hbm>> -> memref<624x16xf32, #tpu.memory_space<hbm>>
      %dma_start3A_222 = arith.constant 0 : i32
      %dma_start3A_223 = tpu.memref_slice %arg7[%mul3A_209, %dma_start3A_222] : memref<10000x16xf32, #tpu.memory_space<vmem_shared>> -> memref<624x16xf32, #tpu.memory_space<vmem_shared>>
      tpu.enqueue_dma source(%dma_start3A_223 : memref<624x16xf32, #tpu.memory_space<vmem_shared>>) target(%dma_start3A_221 : memref<624x16xf32, #tpu.memory_space<hbm>>) target_semaphore(%run_scoped3A : memref<!tpu.dma_semaphore, #tpu.memory_space<semaphore_mem>>)
      %dma_wait3A_224 = arith.constant 0 : i32
      %dma_wait3A_225 = tpu.memref_slice %arg3[%add3A_214, %dma_wait3A_224] : memref<20000x16xf32, #tpu.memory_space<hbm>> -> memref<624x16xf32, #tpu.memory_space<hbm>>
      %dma_wait3A_226 = arith.constant 0 : i32
      %dma_wait3A_227 = tpu.memref_slice %arg7[%mul3A_209, %dma_wait3A_226] : memref<10000x16xf32, #tpu.memory_space<vmem_shared>> -> memref<624x16xf32, #tpu.memory_space<vmem_shared>>
      tpu.wait_dma2 semaphore(%run_scoped3A : memref<!tpu.dma_semaphore, #tpu.memory_space<semaphore_mem>>) src(%dma_wait3A_227 : memref<624x16xf32, #tpu.memory_space<vmem_shared>>) dst(%dma_wait3A_225 : memref<624x16xf32, #tpu.memory_space<hbm>>)
      tpu.yield
    }) : () -> ()
    %eq3A_215 = arith.constant 0 : i32
    %eq3A_216 = arith.cmpi eq, %arg1, %eq3A_215 : i32
    %convert_element_type3A_217 = arith.extui %eq3A_216 : i1 to i32
    %cond3A_218 = arith.constant 0 : i32
    %cond3A_219 = arith.cmpi ne, %convert_element_type3A_217, %cond3A_218 : i32
    scf.if %cond3A_219 {
      %mul3A_220 = arith.constant 10000 : i32
      %mul3A_221 = arith.muli %arg0, %mul3A_220 : i32
      %add3A_222 = arith.constant 9984 : i32
      %add3A_223 = arith.addi %mul3A_221, %add3A_222 : i32
      "tpu.region"() ({
        %run_scoped3A = tpu.sem_alloc : memref<!tpu.dma_semaphore, #tpu.memory_space<semaphore_mem>>
        %dma_start3A_224 = arith.constant 0 : i32
        %dma_start3A_225 = tpu.memref_slice %arg3[%add3A_223, %dma_start3A_224] : memref<20000x16xf32, #tpu.memory_space<hbm>> -> memref<16x16xf32, #tpu.memory_space<hbm>>
        %dma_start3A_226 = arith.constant 9984 : i32
        %dma_start3A_227 = arith.constant 0 : i32
        %dma_start3A_228 = tpu.memref_slice %arg7[%dma_start3A_226, %dma_start3A_227] : memref<10000x16xf32, #tpu.memory_space<vmem_shared>> -> memref<16x16xf32, #tpu.memory_space<vmem_shared>>
        tpu.enqueue_dma source(%dma_start3A_228 : memref<16x16xf32, #tpu.memory_space<vmem_shared>>) target(%dma_start3A_225 : memref<16x16xf32, #tpu.memory_space<hbm>>) target_semaphore(%run_scoped3A : memref<!tpu.dma_semaphore, #tpu.memory_space<semaphore_mem>>)
        %dma_wait3A_229 = arith.constant 0 : i32
        %dma_wait3A_230 = tpu.memref_slice %arg3[%add3A_223, %dma_wait3A_229] : memref<20000x16xf32, #tpu.memory_space<hbm>> -> memref<16x16xf32, #tpu.memory_space<hbm>>
        %dma_wait3A_231 = arith.constant 9984 : i32
        %dma_wait3A_232 = arith.constant 0 : i32
        %dma_wait3A_233 = tpu.memref_slice %arg7[%dma_wait3A_231, %dma_wait3A_232] : memref<10000x16xf32, #tpu.memory_space<vmem_shared>> -> memref<16x16xf32, #tpu.memory_space<vmem_shared>>
        tpu.wait_dma2 semaphore(%run_scoped3A : memref<!tpu.dma_semaphore, #tpu.memory_space<semaphore_mem>>) src(%dma_wait3A_233 : memref<16x16xf32, #tpu.memory_space<vmem_shared>>) dst(%dma_wait3A_230 : memref<16x16xf32, #tpu.memory_space<hbm>>)
        tpu.yield
      }) : () -> ()
    } else {
    }
    return
  }
}

#map = affine_map<(d0, d1) -> (0, 0)>
module attributes {stable_mosaic.version = 14 : i64} {
  func.func @_agg_body(%arg0: i32, %arg1: i32, %arg2: memref<10000x128xf32, #tpu.memory_space<hbm>>, %arg3: memref<2560x125xi32, #tpu.memory_space<hbm>>, %arg4: memref<2560x125xi32, #tpu.memory_space<hbm>>, %arg5: memref<20000x128xf32, #tpu.memory_space<hbm>>, %arg6: memref<40x125xi32, #tpu.memory_space<vmem>>, %arg7: memref<40x125xi32, #tpu.memory_space<vmem>>, %arg8: memref<125x128xf32, #tpu.memory_space<vmem>>, %arg9: memref<125x128xf32, #tpu.memory_space<vmem>>, %arg10: memref<!tpu.dma_semaphore, #tpu.memory_space<semaphore_mem>>, %arg11: memref<!tpu.dma_semaphore, #tpu.memory_space<semaphore_mem>>, %arg12: memref<!tpu.dma_semaphore, #tpu.memory_space<semaphore_mem>>, %arg13: memref<10000x128xf32, #tpu.memory_space<vmem_shared>>) attributes {dimension_semantics = [#tpu.dimension_semantics<core_parallel>, #tpu.dimension_semantics<subcore_parallel>], iteration_bounds = array<i64: 2, 16>, scalar_prefetch = 0 : i64, scratch_operands = 8 : i64, tpu.core_type = #tpu.core_type<sc_vector_subcore>, window_params = [{transform_indices = #map}, {transform_indices = #map}, {transform_indices = #map}, {transform_indices = #map}]} {
    %mul3A = arith.constant 16 : i32
    %mul3A_0 = arith.muli %arg0, %mul3A : i32
    %add3A = arith.addi %mul3A_0, %arg1 : i32
    %mul3A_1 = arith.constant 80 : i32
    %mul3A_2 = arith.muli %add3A, %mul3A_1 : i32
    %dma_start3A = arith.constant 0 : i32
    %dma_start3A_3 = tpu.memref_slice %arg3[%mul3A_2, %dma_start3A] : memref<2560x125xi32, #tpu.memory_space<hbm>> -> memref<40x125xi32, #tpu.memory_space<hbm>>
    %dma_start3A_4 = arith.constant 0 : i32
    %dma_start3A_5 = tpu.memref_slice %arg3[%mul3A_2, %dma_start3A_4] : memref<2560x125xi32, #tpu.memory_space<hbm>> -> memref<40x125xi32, #tpu.memory_space<hbm>>
    tpu.enqueue_dma source(%dma_start3A_5 : memref<40x125xi32, #tpu.memory_space<hbm>>) target(%arg6 : memref<40x125xi32, #tpu.memory_space<vmem>>) target_semaphore(%arg10 : memref<!tpu.dma_semaphore, #tpu.memory_space<semaphore_mem>>)
    %dma_start3A_6 = arith.constant 0 : i32
    %dma_start3A_7 = tpu.memref_slice %arg4[%mul3A_2, %dma_start3A_6] : memref<2560x125xi32, #tpu.memory_space<hbm>> -> memref<40x125xi32, #tpu.memory_space<hbm>>
    %dma_start3A_8 = arith.constant 0 : i32
    %dma_start3A_9 = tpu.memref_slice %arg4[%mul3A_2, %dma_start3A_8] : memref<2560x125xi32, #tpu.memory_space<hbm>> -> memref<40x125xi32, #tpu.memory_space<hbm>>
    tpu.enqueue_dma source(%dma_start3A_9 : memref<40x125xi32, #tpu.memory_space<hbm>>) target(%arg7 : memref<40x125xi32, #tpu.memory_space<vmem>>) target_semaphore(%arg11 : memref<!tpu.dma_semaphore, #tpu.memory_space<semaphore_mem>>)
    %mul3A_10 = arith.constant 624 : i32
    %mul3A_11 = arith.muli %arg1, %mul3A_10 : i32
    %mul3A_12 = arith.constant 624 : i32
    %mul3A_13 = arith.muli %arg1, %mul3A_12 : i32
    %dma_start3A_14 = arith.constant 0 : i32
    %dma_start3A_15 = tpu.memref_slice %arg13[%mul3A_13, %dma_start3A_14] : memref<10000x128xf32, #tpu.memory_space<vmem_shared>> -> memref<624x128xf32, #tpu.memory_space<vmem_shared>>
    %dma_start3A_16 = arith.constant 0 : i32
    %dma_start3A_17 = tpu.memref_slice %arg2[%mul3A_11, %dma_start3A_16] : memref<10000x128xf32, #tpu.memory_space<hbm>> -> memref<624x128xf32, #tpu.memory_space<hbm>>
    tpu.enqueue_dma source(%dma_start3A_17 : memref<624x128xf32, #tpu.memory_space<hbm>>) target(%dma_start3A_15 : memref<624x128xf32, #tpu.memory_space<vmem_shared>>) target_semaphore(%arg12 : memref<!tpu.dma_semaphore, #tpu.memory_space<semaphore_mem>>)
    %eq3A = arith.constant 0 : i32
    %eq3A_18 = arith.cmpi eq, %arg1, %eq3A : i32
    %convert_element_type3A = arith.extui %eq3A_18 : i1 to i32
    %cond3A = arith.constant 0 : i32
    %cond3A_19 = arith.cmpi ne, %convert_element_type3A, %cond3A : i32
    scf.if %cond3A_19 {
      "tpu.region"() ({
        %run_scoped3A = tpu.sem_alloc : memref<!tpu.dma_semaphore, #tpu.memory_space<semaphore_mem>>
        %dma_start3A_75 = arith.constant 9984 : i32
        %dma_start3A_76 = arith.constant 0 : i32
        %dma_start3A_77 = tpu.memref_slice %arg13[%dma_start3A_75, %dma_start3A_76] : memref<10000x128xf32, #tpu.memory_space<vmem_shared>> -> memref<16x128xf32, #tpu.memory_space<vmem_shared>>
        %dma_start3A_78 = arith.constant 9984 : i32
        %dma_start3A_79 = arith.constant 0 : i32
        %dma_start3A_80 = tpu.memref_slice %arg2[%dma_start3A_78, %dma_start3A_79] : memref<10000x128xf32, #tpu.memory_space<hbm>> -> memref<16x128xf32, #tpu.memory_space<hbm>>
        tpu.enqueue_dma source(%dma_start3A_80 : memref<16x128xf32, #tpu.memory_space<hbm>>) target(%dma_start3A_77 : memref<16x128xf32, #tpu.memory_space<vmem_shared>>) target_semaphore(%run_scoped3A : memref<!tpu.dma_semaphore, #tpu.memory_space<semaphore_mem>>)
        %dma_wait3A_81 = arith.constant 9984 : i32
        %dma_wait3A_82 = arith.constant 0 : i32
        %dma_wait3A_83 = tpu.memref_slice %arg13[%dma_wait3A_81, %dma_wait3A_82] : memref<10000x128xf32, #tpu.memory_space<vmem_shared>> -> memref<16x128xf32, #tpu.memory_space<vmem_shared>>
        %dma_wait3A_84 = arith.constant 9984 : i32
        %dma_wait3A_85 = arith.constant 0 : i32
        %dma_wait3A_86 = tpu.memref_slice %arg2[%dma_wait3A_84, %dma_wait3A_85] : memref<10000x128xf32, #tpu.memory_space<hbm>> -> memref<16x128xf32, #tpu.memory_space<hbm>>
        tpu.wait_dma2 semaphore(%run_scoped3A : memref<!tpu.dma_semaphore, #tpu.memory_space<semaphore_mem>>) src(%dma_wait3A_86 : memref<16x128xf32, #tpu.memory_space<hbm>>) dst(%dma_wait3A_83 : memref<16x128xf32, #tpu.memory_space<vmem_shared>>)
        tpu.yield
      }) : () -> ()
    } else {
    }
    %dma_wait3A = arith.constant 0 : i32
    %dma_wait3A_20 = tpu.memref_slice %arg3[%mul3A_2, %dma_wait3A] : memref<2560x125xi32, #tpu.memory_space<hbm>> -> memref<40x125xi32, #tpu.memory_space<hbm>>
    %dma_wait3A_21 = arith.constant 0 : i32
    %dma_wait3A_22 = tpu.memref_slice %arg3[%mul3A_2, %dma_wait3A_21] : memref<2560x125xi32, #tpu.memory_space<hbm>> -> memref<40x125xi32, #tpu.memory_space<hbm>>
    tpu.wait_dma2 semaphore(%arg10 : memref<!tpu.dma_semaphore, #tpu.memory_space<semaphore_mem>>) src(%dma_wait3A_22 : memref<40x125xi32, #tpu.memory_space<hbm>>) dst(%arg6 : memref<40x125xi32, #tpu.memory_space<vmem>>)
    %dma_wait3A_23 = arith.constant 0 : i32
    %dma_wait3A_24 = tpu.memref_slice %arg4[%mul3A_2, %dma_wait3A_23] : memref<2560x125xi32, #tpu.memory_space<hbm>> -> memref<40x125xi32, #tpu.memory_space<hbm>>
    %dma_wait3A_25 = arith.constant 0 : i32
    %dma_wait3A_26 = tpu.memref_slice %arg4[%mul3A_2, %dma_wait3A_25] : memref<2560x125xi32, #tpu.memory_space<hbm>> -> memref<40x125xi32, #tpu.memory_space<hbm>>
    tpu.wait_dma2 semaphore(%arg11 : memref<!tpu.dma_semaphore, #tpu.memory_space<semaphore_mem>>) src(%dma_wait3A_26 : memref<40x125xi32, #tpu.memory_space<hbm>>) dst(%arg7 : memref<40x125xi32, #tpu.memory_space<vmem>>)
    %dma_wait3A_27 = arith.constant 0 : i32
    %dma_wait3A_28 = tpu.memref_slice %arg13[%mul3A_13, %dma_wait3A_27] : memref<10000x128xf32, #tpu.memory_space<vmem_shared>> -> memref<624x128xf32, #tpu.memory_space<vmem_shared>>
    %dma_wait3A_29 = arith.constant 0 : i32
    %dma_wait3A_30 = tpu.memref_slice %arg2[%mul3A_11, %dma_wait3A_29] : memref<10000x128xf32, #tpu.memory_space<hbm>> -> memref<624x128xf32, #tpu.memory_space<hbm>>
    tpu.wait_dma2 semaphore(%arg12 : memref<!tpu.dma_semaphore, #tpu.memory_space<semaphore_mem>>) src(%dma_wait3A_30 : memref<624x128xf32, #tpu.memory_space<hbm>>) dst(%dma_wait3A_28 : memref<624x128xf32, #tpu.memory_space<vmem_shared>>)
    %barrier3A = arith.constant 0 : index
    tpu.barrier barrier_id(%barrier3A)
    %dma_start3A_31 = arith.constant 0 : i32
    %dma_start3A_32 = arith.constant 0 : i32
    %dma_start3A_33 = tpu.memref_slice %arg6[%dma_start3A_31, %dma_start3A_32] : memref<40x125xi32, #tpu.memory_space<vmem>> -> memref<1x125xi32, #tpu.memory_space<vmem>>
    %dma_start3A_34 = tpu.memref_squeeze %dma_start3A_33 : memref<1x125xi32, #tpu.memory_space<vmem>> -> memref<125xi32, #tpu.memory_space<vmem>>
    %dma_start3A_35 = arith.constant 0 : i32
    %dma_start3A_36 = arith.constant 0 : i32
    %dma_start3A_37 = tpu.memref_slice %arg2[%dma_start3A_35, %dma_start3A_36] : memref<10000x128xf32, #tpu.memory_space<hbm>> -> memref<10000x128xf32, #tpu.memory_space<hbm>>
    tpu.enqueue_indirect_dma source(%dma_start3A_37 : memref<10000x128xf32, #tpu.memory_space<hbm>>) target(%arg8 : memref<125x128xf32, #tpu.memory_space<vmem>>) offsets(%dma_start3A_34 : memref<125xi32, #tpu.memory_space<vmem>>) semaphore(%arg10 : memref<!tpu.dma_semaphore, #tpu.memory_space<semaphore_mem>>)
    %scan3A = arith.constant 0 : i32
    %scan3A_38 = arith.constant 0 : i32
    %scan3A_39 = arith.constant 20 : i32
    %scan3A_40 = arith.addi %scan3A_38, %scan3A_39 : i32
    %scan3A_41 = arith.constant 1 : i32
    %scan3A_42 = scf.for %scan3A_75 = %scan3A_38 to %scan3A_40 step %scan3A_41 iter_args(%scan3A_76 = %scan3A) -> (i32)  : i32 {
      %mul3A_77 = arith.constant 2 : i32
      %mul3A_78 = arith.muli %mul3A_77, %scan3A_75 : i32
      %add3A_79 = arith.constant 1 : i32
      %add3A_80 = arith.addi %mul3A_78, %add3A_79 : i32
      %dma_start3A_81 = arith.constant 0 : i32
      %dma_start3A_82 = tpu.memref_slice %arg6[%add3A_80, %dma_start3A_81] : memref<40x125xi32, #tpu.memory_space<vmem>> -> memref<1x125xi32, #tpu.memory_space<vmem>>
      %dma_start3A_83 = tpu.memref_squeeze %dma_start3A_82 : memref<1x125xi32, #tpu.memory_space<vmem>> -> memref<125xi32, #tpu.memory_space<vmem>>
      %dma_start3A_84 = arith.constant 0 : i32
      %dma_start3A_85 = arith.constant 0 : i32
      %dma_start3A_86 = tpu.memref_slice %arg2[%dma_start3A_84, %dma_start3A_85] : memref<10000x128xf32, #tpu.memory_space<hbm>> -> memref<10000x128xf32, #tpu.memory_space<hbm>>
      tpu.enqueue_indirect_dma source(%dma_start3A_86 : memref<10000x128xf32, #tpu.memory_space<hbm>>) target(%arg9 : memref<125x128xf32, #tpu.memory_space<vmem>>) offsets(%dma_start3A_83 : memref<125xi32, #tpu.memory_space<vmem>>) semaphore(%arg11 : memref<!tpu.dma_semaphore, #tpu.memory_space<semaphore_mem>>)
      %dma_wait3A_87 = arith.constant 0 : i32
      %dma_wait3A_88 = tpu.memref_slice %arg6[%mul3A_78, %dma_wait3A_87] : memref<40x125xi32, #tpu.memory_space<vmem>> -> memref<1x125xi32, #tpu.memory_space<vmem>>
      %dma_wait3A_89 = tpu.memref_squeeze %dma_wait3A_88 : memref<1x125xi32, #tpu.memory_space<vmem>> -> memref<125xi32, #tpu.memory_space<vmem>>
      %dma_wait3A_90 = arith.constant 0 : i32
      %dma_wait3A_91 = arith.constant 0 : i32
      %dma_wait3A_92 = tpu.memref_slice %arg2[%dma_wait3A_90, %dma_wait3A_91] : memref<10000x128xf32, #tpu.memory_space<hbm>> -> memref<10000x128xf32, #tpu.memory_space<hbm>>
      tpu.wait_indirect_dma semaphore(%arg10 : memref<!tpu.dma_semaphore, #tpu.memory_space<semaphore_mem>>) src(%dma_wait3A_92 : memref<10000x128xf32, #tpu.memory_space<hbm>>) dst(%arg8 : memref<125x128xf32, #tpu.memory_space<vmem>>)
      "tpu.region"() ({
        %run_scoped3A = tpu.sem_alloc : memref<!tpu.dma_semaphore, #tpu.memory_space<semaphore_mem>>
        %dma_start3A_110 = arith.constant 0 : i32
        %dma_start3A_111 = tpu.memref_slice %arg7[%mul3A_78, %dma_start3A_110] : memref<40x125xi32, #tpu.memory_space<vmem>> -> memref<1x125xi32, #tpu.memory_space<vmem>>
        %dma_start3A_112 = tpu.memref_squeeze %dma_start3A_111 : memref<1x125xi32, #tpu.memory_space<vmem>> -> memref<125xi32, #tpu.memory_space<vmem>>
        %dma_start3A_113 = arith.constant 0 : i32
        %dma_start3A_114 = arith.constant 0 : i32
        %dma_start3A_115 = tpu.memref_slice %arg13[%dma_start3A_113, %dma_start3A_114] : memref<10000x128xf32, #tpu.memory_space<vmem_shared>> -> memref<10000x128xf32, #tpu.memory_space<vmem_shared>>
        tpu.enqueue_indirect_dma source(%arg8 : memref<125x128xf32, #tpu.memory_space<vmem>>) target(%dma_start3A_115 : memref<10000x128xf32, #tpu.memory_space<vmem_shared>>) offsets(%dma_start3A_112 : memref<125xi32, #tpu.memory_space<vmem>>) semaphore(%run_scoped3A : memref<!tpu.dma_semaphore, #tpu.memory_space<semaphore_mem>>) {add = true}
        %dma_wait3A_116 = arith.constant 0 : i32
        %dma_wait3A_117 = tpu.memref_slice %arg7[%mul3A_78, %dma_wait3A_116] : memref<40x125xi32, #tpu.memory_space<vmem>> -> memref<1x125xi32, #tpu.memory_space<vmem>>
        %dma_wait3A_118 = tpu.memref_squeeze %dma_wait3A_117 : memref<1x125xi32, #tpu.memory_space<vmem>> -> memref<125xi32, #tpu.memory_space<vmem>>
        %dma_wait3A_119 = arith.constant 0 : i32
        %dma_wait3A_120 = arith.constant 0 : i32
        %dma_wait3A_121 = tpu.memref_slice %arg13[%dma_wait3A_119, %dma_wait3A_120] : memref<10000x128xf32, #tpu.memory_space<vmem_shared>> -> memref<10000x128xf32, #tpu.memory_space<vmem_shared>>
        tpu.wait_indirect_dma semaphore(%run_scoped3A : memref<!tpu.dma_semaphore, #tpu.memory_space<semaphore_mem>>) src(%arg8 : memref<125x128xf32, #tpu.memory_space<vmem>>) dst(%dma_wait3A_121 : memref<10000x128xf32, #tpu.memory_space<vmem_shared>>)
        tpu.yield
      }) : () -> ()
      %add3A_93 = arith.constant 2 : i32
      %add3A_94 = arith.addi %mul3A_78, %add3A_93 : i32
      %lt3A = arith.constant 40 : i32
      %lt3A_95 = arith.cmpi slt, %add3A_94, %lt3A : i32
      %convert_element_type3A_96 = arith.extui %lt3A_95 : i1 to i32
      %cond3A_97 = arith.constant 0 : i32
      %cond3A_98 = arith.cmpi ne, %convert_element_type3A_96, %cond3A_97 : i32
      scf.if %cond3A_98 {
        %add3A_110 = arith.constant 2 : i32
        %add3A_111 = arith.addi %mul3A_78, %add3A_110 : i32
        %dma_start3A_112 = arith.constant 0 : i32
        %dma_start3A_113 = tpu.memref_slice %arg6[%add3A_111, %dma_start3A_112] : memref<40x125xi32, #tpu.memory_space<vmem>> -> memref<1x125xi32, #tpu.memory_space<vmem>>
        %dma_start3A_114 = tpu.memref_squeeze %dma_start3A_113 : memref<1x125xi32, #tpu.memory_space<vmem>> -> memref<125xi32, #tpu.memory_space<vmem>>
        %dma_start3A_115 = arith.constant 0 : i32
        %dma_start3A_116 = arith.constant 0 : i32
        %dma_start3A_117 = tpu.memref_slice %arg2[%dma_start3A_115, %dma_start3A_116] : memref<10000x128xf32, #tpu.memory_space<hbm>> -> memref<10000x128xf32, #tpu.memory_space<hbm>>
        tpu.enqueue_indirect_dma source(%dma_start3A_117 : memref<10000x128xf32, #tpu.memory_space<hbm>>) target(%arg8 : memref<125x128xf32, #tpu.memory_space<vmem>>) offsets(%dma_start3A_114 : memref<125xi32, #tpu.memory_space<vmem>>) semaphore(%arg10 : memref<!tpu.dma_semaphore, #tpu.memory_space<semaphore_mem>>)
      } else {
      }
      %add3A_99 = arith.constant 1 : i32
      %add3A_100 = arith.addi %mul3A_78, %add3A_99 : i32
      %dma_wait3A_101 = arith.constant 0 : i32
      %dma_wait3A_102 = tpu.memref_slice %arg6[%add3A_100, %dma_wait3A_101] : memref<40x125xi32, #tpu.memory_space<vmem>> -> memref<1x125xi32, #tpu.memory_space<vmem>>
      %dma_wait3A_103 = tpu.memref_squeeze %dma_wait3A_102 : memref<1x125xi32, #tpu.memory_space<vmem>> -> memref<125xi32, #tpu.memory_space<vmem>>
      %dma_wait3A_104 = arith.constant 0 : i32
      %dma_wait3A_105 = arith.constant 0 : i32
      %dma_wait3A_106 = tpu.memref_slice %arg2[%dma_wait3A_104, %dma_wait3A_105] : memref<10000x128xf32, #tpu.memory_space<hbm>> -> memref<10000x128xf32, #tpu.memory_space<hbm>>
      tpu.wait_indirect_dma semaphore(%arg11 : memref<!tpu.dma_semaphore, #tpu.memory_space<semaphore_mem>>) src(%dma_wait3A_106 : memref<10000x128xf32, #tpu.memory_space<hbm>>) dst(%arg9 : memref<125x128xf32, #tpu.memory_space<vmem>>)
      %add3A_107 = arith.constant 1 : i32
      %add3A_108 = arith.addi %mul3A_78, %add3A_107 : i32
      "tpu.region"() ({
        %run_scoped3A = tpu.sem_alloc : memref<!tpu.dma_semaphore, #tpu.memory_space<semaphore_mem>>
        %dma_start3A_110 = arith.constant 0 : i32
        %dma_start3A_111 = tpu.memref_slice %arg7[%add3A_108, %dma_start3A_110] : memref<40x125xi32, #tpu.memory_space<vmem>> -> memref<1x125xi32, #tpu.memory_space<vmem>>
        %dma_start3A_112 = tpu.memref_squeeze %dma_start3A_111 : memref<1x125xi32, #tpu.memory_space<vmem>> -> memref<125xi32, #tpu.memory_space<vmem>>
        %dma_start3A_113 = arith.constant 0 : i32
        %dma_start3A_114 = arith.constant 0 : i32
        %dma_start3A_115 = tpu.memref_slice %arg13[%dma_start3A_113, %dma_start3A_114] : memref<10000x128xf32, #tpu.memory_space<vmem_shared>> -> memref<10000x128xf32, #tpu.memory_space<vmem_shared>>
        tpu.enqueue_indirect_dma source(%arg9 : memref<125x128xf32, #tpu.memory_space<vmem>>) target(%dma_start3A_115 : memref<10000x128xf32, #tpu.memory_space<vmem_shared>>) offsets(%dma_start3A_112 : memref<125xi32, #tpu.memory_space<vmem>>) semaphore(%run_scoped3A : memref<!tpu.dma_semaphore, #tpu.memory_space<semaphore_mem>>) {add = true}
        %dma_wait3A_116 = arith.constant 0 : i32
        %dma_wait3A_117 = tpu.memref_slice %arg7[%add3A_108, %dma_wait3A_116] : memref<40x125xi32, #tpu.memory_space<vmem>> -> memref<1x125xi32, #tpu.memory_space<vmem>>
        %dma_wait3A_118 = tpu.memref_squeeze %dma_wait3A_117 : memref<1x125xi32, #tpu.memory_space<vmem>> -> memref<125xi32, #tpu.memory_space<vmem>>
        %dma_wait3A_119 = arith.constant 0 : i32
        %dma_wait3A_120 = arith.constant 0 : i32
        %dma_wait3A_121 = tpu.memref_slice %arg13[%dma_wait3A_119, %dma_wait3A_120] : memref<10000x128xf32, #tpu.memory_space<vmem_shared>> -> memref<10000x128xf32, #tpu.memory_space<vmem_shared>>
        tpu.wait_indirect_dma semaphore(%run_scoped3A : memref<!tpu.dma_semaphore, #tpu.memory_space<semaphore_mem>>) src(%arg9 : memref<125x128xf32, #tpu.memory_space<vmem>>) dst(%dma_wait3A_121 : memref<10000x128xf32, #tpu.memory_space<vmem_shared>>)
        tpu.yield
      }) : () -> ()
      %scan3A_109 = arith.constant 0 : i32
      scf.yield %scan3A_109 : i32
    }
    %scan3A_43 = arith.constant 20 : i32
    %add3A_44 = arith.constant 40 : i32
    %add3A_45 = arith.addi %mul3A_2, %add3A_44 : i32
    "tpu.region"() ({
      %run_scoped3A = tpu.sem_alloc : memref<!tpu.dma_semaphore, #tpu.memory_space<semaphore_mem>>
      %dma_start3A_75 = arith.constant 0 : i32
      %dma_start3A_76 = tpu.memref_slice %arg3[%add3A_45, %dma_start3A_75] : memref<2560x125xi32, #tpu.memory_space<hbm>> -> memref<40x125xi32, #tpu.memory_space<hbm>>
      %dma_start3A_77 = arith.constant 0 : i32
      %dma_start3A_78 = tpu.memref_slice %arg3[%add3A_45, %dma_start3A_77] : memref<2560x125xi32, #tpu.memory_space<hbm>> -> memref<40x125xi32, #tpu.memory_space<hbm>>
      tpu.enqueue_dma source(%dma_start3A_78 : memref<40x125xi32, #tpu.memory_space<hbm>>) target(%arg6 : memref<40x125xi32, #tpu.memory_space<vmem>>) target_semaphore(%run_scoped3A : memref<!tpu.dma_semaphore, #tpu.memory_space<semaphore_mem>>)
      %dma_wait3A_79 = arith.constant 0 : i32
      %dma_wait3A_80 = tpu.memref_slice %arg3[%add3A_45, %dma_wait3A_79] : memref<2560x125xi32, #tpu.memory_space<hbm>> -> memref<40x125xi32, #tpu.memory_space<hbm>>
      %dma_wait3A_81 = arith.constant 0 : i32
      %dma_wait3A_82 = tpu.memref_slice %arg3[%add3A_45, %dma_wait3A_81] : memref<2560x125xi32, #tpu.memory_space<hbm>> -> memref<40x125xi32, #tpu.memory_space<hbm>>
      tpu.wait_dma2 semaphore(%run_scoped3A : memref<!tpu.dma_semaphore, #tpu.memory_space<semaphore_mem>>) src(%dma_wait3A_82 : memref<40x125xi32, #tpu.memory_space<hbm>>) dst(%arg6 : memref<40x125xi32, #tpu.memory_space<vmem>>)
      tpu.yield
    }) : () -> ()
    %add3A_46 = arith.constant 40 : i32
    %add3A_47 = arith.addi %mul3A_2, %add3A_46 : i32
    "tpu.region"() ({
      %run_scoped3A = tpu.sem_alloc : memref<!tpu.dma_semaphore, #tpu.memory_space<semaphore_mem>>
      %dma_start3A_75 = arith.constant 0 : i32
      %dma_start3A_76 = tpu.memref_slice %arg4[%add3A_47, %dma_start3A_75] : memref<2560x125xi32, #tpu.memory_space<hbm>> -> memref<40x125xi32, #tpu.memory_space<hbm>>
      %dma_start3A_77 = arith.constant 0 : i32
      %dma_start3A_78 = tpu.memref_slice %arg4[%add3A_47, %dma_start3A_77] : memref<2560x125xi32, #tpu.memory_space<hbm>> -> memref<40x125xi32, #tpu.memory_space<hbm>>
      tpu.enqueue_dma source(%dma_start3A_78 : memref<40x125xi32, #tpu.memory_space<hbm>>) target(%arg7 : memref<40x125xi32, #tpu.memory_space<vmem>>) target_semaphore(%run_scoped3A : memref<!tpu.dma_semaphore, #tpu.memory_space<semaphore_mem>>)
      %dma_wait3A_79 = arith.constant 0 : i32
      %dma_wait3A_80 = tpu.memref_slice %arg4[%add3A_47, %dma_wait3A_79] : memref<2560x125xi32, #tpu.memory_space<hbm>> -> memref<40x125xi32, #tpu.memory_space<hbm>>
      %dma_wait3A_81 = arith.constant 0 : i32
      %dma_wait3A_82 = tpu.memref_slice %arg4[%add3A_47, %dma_wait3A_81] : memref<2560x125xi32, #tpu.memory_space<hbm>> -> memref<40x125xi32, #tpu.memory_space<hbm>>
      tpu.wait_dma2 semaphore(%run_scoped3A : memref<!tpu.dma_semaphore, #tpu.memory_space<semaphore_mem>>) src(%dma_wait3A_82 : memref<40x125xi32, #tpu.memory_space<hbm>>) dst(%arg7 : memref<40x125xi32, #tpu.memory_space<vmem>>)
      tpu.yield
    }) : () -> ()
    %dma_start3A_48 = arith.constant 0 : i32
    %dma_start3A_49 = arith.constant 0 : i32
    %dma_start3A_50 = tpu.memref_slice %arg6[%dma_start3A_48, %dma_start3A_49] : memref<40x125xi32, #tpu.memory_space<vmem>> -> memref<1x125xi32, #tpu.memory_space<vmem>>
    %dma_start3A_51 = tpu.memref_squeeze %dma_start3A_50 : memref<1x125xi32, #tpu.memory_space<vmem>> -> memref<125xi32, #tpu.memory_space<vmem>>
    %dma_start3A_52 = arith.constant 0 : i32
    %dma_start3A_53 = arith.constant 0 : i32
    %dma_start3A_54 = tpu.memref_slice %arg2[%dma_start3A_52, %dma_start3A_53] : memref<10000x128xf32, #tpu.memory_space<hbm>> -> memref<10000x128xf32, #tpu.memory_space<hbm>>
    tpu.enqueue_indirect_dma source(%dma_start3A_54 : memref<10000x128xf32, #tpu.memory_space<hbm>>) target(%arg8 : memref<125x128xf32, #tpu.memory_space<vmem>>) offsets(%dma_start3A_51 : memref<125xi32, #tpu.memory_space<vmem>>) semaphore(%arg10 : memref<!tpu.dma_semaphore, #tpu.memory_space<semaphore_mem>>)
    %scan3A_55 = arith.constant 0 : i32
    %scan3A_56 = arith.constant 0 : i32
    %scan3A_57 = arith.constant 20 : i32
    %scan3A_58 = arith.addi %scan3A_56, %scan3A_57 : i32
    %scan3A_59 = arith.constant 1 : i32
    %scan3A_60 = scf.for %scan3A_75 = %scan3A_56 to %scan3A_58 step %scan3A_59 iter_args(%scan3A_76 = %scan3A_55) -> (i32)  : i32 {
      %mul3A_77 = arith.constant 2 : i32
      %mul3A_78 = arith.muli %mul3A_77, %scan3A_75 : i32
      %add3A_79 = arith.constant 1 : i32
      %add3A_80 = arith.addi %mul3A_78, %add3A_79 : i32
      %dma_start3A_81 = arith.constant 0 : i32
      %dma_start3A_82 = tpu.memref_slice %arg6[%add3A_80, %dma_start3A_81] : memref<40x125xi32, #tpu.memory_space<vmem>> -> memref<1x125xi32, #tpu.memory_space<vmem>>
      %dma_start3A_83 = tpu.memref_squeeze %dma_start3A_82 : memref<1x125xi32, #tpu.memory_space<vmem>> -> memref<125xi32, #tpu.memory_space<vmem>>
      %dma_start3A_84 = arith.constant 0 : i32
      %dma_start3A_85 = arith.constant 0 : i32
      %dma_start3A_86 = tpu.memref_slice %arg2[%dma_start3A_84, %dma_start3A_85] : memref<10000x128xf32, #tpu.memory_space<hbm>> -> memref<10000x128xf32, #tpu.memory_space<hbm>>
      tpu.enqueue_indirect_dma source(%dma_start3A_86 : memref<10000x128xf32, #tpu.memory_space<hbm>>) target(%arg9 : memref<125x128xf32, #tpu.memory_space<vmem>>) offsets(%dma_start3A_83 : memref<125xi32, #tpu.memory_space<vmem>>) semaphore(%arg11 : memref<!tpu.dma_semaphore, #tpu.memory_space<semaphore_mem>>)
      %dma_wait3A_87 = arith.constant 0 : i32
      %dma_wait3A_88 = tpu.memref_slice %arg6[%mul3A_78, %dma_wait3A_87] : memref<40x125xi32, #tpu.memory_space<vmem>> -> memref<1x125xi32, #tpu.memory_space<vmem>>
      %dma_wait3A_89 = tpu.memref_squeeze %dma_wait3A_88 : memref<1x125xi32, #tpu.memory_space<vmem>> -> memref<125xi32, #tpu.memory_space<vmem>>
      %dma_wait3A_90 = arith.constant 0 : i32
      %dma_wait3A_91 = arith.constant 0 : i32
      %dma_wait3A_92 = tpu.memref_slice %arg2[%dma_wait3A_90, %dma_wait3A_91] : memref<10000x128xf32, #tpu.memory_space<hbm>> -> memref<10000x128xf32, #tpu.memory_space<hbm>>
      tpu.wait_indirect_dma semaphore(%arg10 : memref<!tpu.dma_semaphore, #tpu.memory_space<semaphore_mem>>) src(%dma_wait3A_92 : memref<10000x128xf32, #tpu.memory_space<hbm>>) dst(%arg8 : memref<125x128xf32, #tpu.memory_space<vmem>>)
      "tpu.region"() ({
        %run_scoped3A = tpu.sem_alloc : memref<!tpu.dma_semaphore, #tpu.memory_space<semaphore_mem>>
        %dma_start3A_110 = arith.constant 0 : i32
        %dma_start3A_111 = tpu.memref_slice %arg7[%mul3A_78, %dma_start3A_110] : memref<40x125xi32, #tpu.memory_space<vmem>> -> memref<1x125xi32, #tpu.memory_space<vmem>>
        %dma_start3A_112 = tpu.memref_squeeze %dma_start3A_111 : memref<1x125xi32, #tpu.memory_space<vmem>> -> memref<125xi32, #tpu.memory_space<vmem>>
        %dma_start3A_113 = arith.constant 0 : i32
        %dma_start3A_114 = arith.constant 0 : i32
        %dma_start3A_115 = tpu.memref_slice %arg13[%dma_start3A_113, %dma_start3A_114] : memref<10000x128xf32, #tpu.memory_space<vmem_shared>> -> memref<10000x128xf32, #tpu.memory_space<vmem_shared>>
        tpu.enqueue_indirect_dma source(%arg8 : memref<125x128xf32, #tpu.memory_space<vmem>>) target(%dma_start3A_115 : memref<10000x128xf32, #tpu.memory_space<vmem_shared>>) offsets(%dma_start3A_112 : memref<125xi32, #tpu.memory_space<vmem>>) semaphore(%run_scoped3A : memref<!tpu.dma_semaphore, #tpu.memory_space<semaphore_mem>>) {add = true}
        %dma_wait3A_116 = arith.constant 0 : i32
        %dma_wait3A_117 = tpu.memref_slice %arg7[%mul3A_78, %dma_wait3A_116] : memref<40x125xi32, #tpu.memory_space<vmem>> -> memref<1x125xi32, #tpu.memory_space<vmem>>
        %dma_wait3A_118 = tpu.memref_squeeze %dma_wait3A_117 : memref<1x125xi32, #tpu.memory_space<vmem>> -> memref<125xi32, #tpu.memory_space<vmem>>
        %dma_wait3A_119 = arith.constant 0 : i32
        %dma_wait3A_120 = arith.constant 0 : i32
        %dma_wait3A_121 = tpu.memref_slice %arg13[%dma_wait3A_119, %dma_wait3A_120] : memref<10000x128xf32, #tpu.memory_space<vmem_shared>> -> memref<10000x128xf32, #tpu.memory_space<vmem_shared>>
        tpu.wait_indirect_dma semaphore(%run_scoped3A : memref<!tpu.dma_semaphore, #tpu.memory_space<semaphore_mem>>) src(%arg8 : memref<125x128xf32, #tpu.memory_space<vmem>>) dst(%dma_wait3A_121 : memref<10000x128xf32, #tpu.memory_space<vmem_shared>>)
        tpu.yield
      }) : () -> ()
      %add3A_93 = arith.constant 2 : i32
      %add3A_94 = arith.addi %mul3A_78, %add3A_93 : i32
      %lt3A = arith.constant 40 : i32
      %lt3A_95 = arith.cmpi slt, %add3A_94, %lt3A : i32
      %convert_element_type3A_96 = arith.extui %lt3A_95 : i1 to i32
      %cond3A_97 = arith.constant 0 : i32
      %cond3A_98 = arith.cmpi ne, %convert_element_type3A_96, %cond3A_97 : i32
      scf.if %cond3A_98 {
        %add3A_110 = arith.constant 2 : i32
        %add3A_111 = arith.addi %mul3A_78, %add3A_110 : i32
        %dma_start3A_112 = arith.constant 0 : i32
        %dma_start3A_113 = tpu.memref_slice %arg6[%add3A_111, %dma_start3A_112] : memref<40x125xi32, #tpu.memory_space<vmem>> -> memref<1x125xi32, #tpu.memory_space<vmem>>
        %dma_start3A_114 = tpu.memref_squeeze %dma_start3A_113 : memref<1x125xi32, #tpu.memory_space<vmem>> -> memref<125xi32, #tpu.memory_space<vmem>>
        %dma_start3A_115 = arith.constant 0 : i32
        %dma_start3A_116 = arith.constant 0 : i32
        %dma_start3A_117 = tpu.memref_slice %arg2[%dma_start3A_115, %dma_start3A_116] : memref<10000x128xf32, #tpu.memory_space<hbm>> -> memref<10000x128xf32, #tpu.memory_space<hbm>>
        tpu.enqueue_indirect_dma source(%dma_start3A_117 : memref<10000x128xf32, #tpu.memory_space<hbm>>) target(%arg8 : memref<125x128xf32, #tpu.memory_space<vmem>>) offsets(%dma_start3A_114 : memref<125xi32, #tpu.memory_space<vmem>>) semaphore(%arg10 : memref<!tpu.dma_semaphore, #tpu.memory_space<semaphore_mem>>)
      } else {
      }
      %add3A_99 = arith.constant 1 : i32
      %add3A_100 = arith.addi %mul3A_78, %add3A_99 : i32
      %dma_wait3A_101 = arith.constant 0 : i32
      %dma_wait3A_102 = tpu.memref_slice %arg6[%add3A_100, %dma_wait3A_101] : memref<40x125xi32, #tpu.memory_space<vmem>> -> memref<1x125xi32, #tpu.memory_space<vmem>>
      %dma_wait3A_103 = tpu.memref_squeeze %dma_wait3A_102 : memref<1x125xi32, #tpu.memory_space<vmem>> -> memref<125xi32, #tpu.memory_space<vmem>>
      %dma_wait3A_104 = arith.constant 0 : i32
      %dma_wait3A_105 = arith.constant 0 : i32
      %dma_wait3A_106 = tpu.memref_slice %arg2[%dma_wait3A_104, %dma_wait3A_105] : memref<10000x128xf32, #tpu.memory_space<hbm>> -> memref<10000x128xf32, #tpu.memory_space<hbm>>
      tpu.wait_indirect_dma semaphore(%arg11 : memref<!tpu.dma_semaphore, #tpu.memory_space<semaphore_mem>>) src(%dma_wait3A_106 : memref<10000x128xf32, #tpu.memory_space<hbm>>) dst(%arg9 : memref<125x128xf32, #tpu.memory_space<vmem>>)
      %add3A_107 = arith.constant 1 : i32
      %add3A_108 = arith.addi %mul3A_78, %add3A_107 : i32
      "tpu.region"() ({
        %run_scoped3A = tpu.sem_alloc : memref<!tpu.dma_semaphore, #tpu.memory_space<semaphore_mem>>
        %dma_start3A_110 = arith.constant 0 : i32
        %dma_start3A_111 = tpu.memref_slice %arg7[%add3A_108, %dma_start3A_110] : memref<40x125xi32, #tpu.memory_space<vmem>> -> memref<1x125xi32, #tpu.memory_space<vmem>>
        %dma_start3A_112 = tpu.memref_squeeze %dma_start3A_111 : memref<1x125xi32, #tpu.memory_space<vmem>> -> memref<125xi32, #tpu.memory_space<vmem>>
        %dma_start3A_113 = arith.constant 0 : i32
        %dma_start3A_114 = arith.constant 0 : i32
        %dma_start3A_115 = tpu.memref_slice %arg13[%dma_start3A_113, %dma_start3A_114] : memref<10000x128xf32, #tpu.memory_space<vmem_shared>> -> memref<10000x128xf32, #tpu.memory_space<vmem_shared>>
        tpu.enqueue_indirect_dma source(%arg9 : memref<125x128xf32, #tpu.memory_space<vmem>>) target(%dma_start3A_115 : memref<10000x128xf32, #tpu.memory_space<vmem_shared>>) offsets(%dma_start3A_112 : memref<125xi32, #tpu.memory_space<vmem>>) semaphore(%run_scoped3A : memref<!tpu.dma_semaphore, #tpu.memory_space<semaphore_mem>>) {add = true}
        %dma_wait3A_116 = arith.constant 0 : i32
        %dma_wait3A_117 = tpu.memref_slice %arg7[%add3A_108, %dma_wait3A_116] : memref<40x125xi32, #tpu.memory_space<vmem>> -> memref<1x125xi32, #tpu.memory_space<vmem>>
        %dma_wait3A_118 = tpu.memref_squeeze %dma_wait3A_117 : memref<1x125xi32, #tpu.memory_space<vmem>> -> memref<125xi32, #tpu.memory_space<vmem>>
        %dma_wait3A_119 = arith.constant 0 : i32
        %dma_wait3A_120 = arith.constant 0 : i32
        %dma_wait3A_121 = tpu.memref_slice %arg13[%dma_wait3A_119, %dma_wait3A_120] : memref<10000x128xf32, #tpu.memory_space<vmem_shared>> -> memref<10000x128xf32, #tpu.memory_space<vmem_shared>>
        tpu.wait_indirect_dma semaphore(%run_scoped3A : memref<!tpu.dma_semaphore, #tpu.memory_space<semaphore_mem>>) src(%arg9 : memref<125x128xf32, #tpu.memory_space<vmem>>) dst(%dma_wait3A_121 : memref<10000x128xf32, #tpu.memory_space<vmem_shared>>)
        tpu.yield
      }) : () -> ()
      %scan3A_109 = arith.constant 0 : i32
      scf.yield %scan3A_109 : i32
    }
    %scan3A_61 = arith.constant 20 : i32
    %barrier3A_62 = arith.constant 0 : index
    tpu.barrier barrier_id(%barrier3A_62)
    %mul3A_63 = arith.constant 624 : i32
    %mul3A_64 = arith.muli %arg1, %mul3A_63 : i32
    %mul3A_65 = arith.constant 10000 : i32
    %mul3A_66 = arith.muli %arg0, %mul3A_65 : i32
    %mul3A_67 = arith.constant 624 : i32
    %mul3A_68 = arith.muli %arg1, %mul3A_67 : i32
    %add3A_69 = arith.addi %mul3A_66, %mul3A_68 : i32
    "tpu.region"() ({
      %run_scoped3A = tpu.sem_alloc : memref<!tpu.dma_semaphore, #tpu.memory_space<semaphore_mem>>
      %dma_start3A_75 = arith.constant 0 : i32
      %dma_start3A_76 = tpu.memref_slice %arg5[%add3A_69, %dma_start3A_75] : memref<20000x128xf32, #tpu.memory_space<hbm>> -> memref<624x128xf32, #tpu.memory_space<hbm>>
      %dma_start3A_77 = arith.constant 0 : i32
      %dma_start3A_78 = tpu.memref_slice %arg13[%mul3A_64, %dma_start3A_77] : memref<10000x128xf32, #tpu.memory_space<vmem_shared>> -> memref<624x128xf32, #tpu.memory_space<vmem_shared>>
      tpu.enqueue_dma source(%dma_start3A_78 : memref<624x128xf32, #tpu.memory_space<vmem_shared>>) target(%dma_start3A_76 : memref<624x128xf32, #tpu.memory_space<hbm>>) target_semaphore(%run_scoped3A : memref<!tpu.dma_semaphore, #tpu.memory_space<semaphore_mem>>)
      %dma_wait3A_79 = arith.constant 0 : i32
      %dma_wait3A_80 = tpu.memref_slice %arg5[%add3A_69, %dma_wait3A_79] : memref<20000x128xf32, #tpu.memory_space<hbm>> -> memref<624x128xf32, #tpu.memory_space<hbm>>
      %dma_wait3A_81 = arith.constant 0 : i32
      %dma_wait3A_82 = tpu.memref_slice %arg13[%mul3A_64, %dma_wait3A_81] : memref<10000x128xf32, #tpu.memory_space<vmem_shared>> -> memref<624x128xf32, #tpu.memory_space<vmem_shared>>
      tpu.wait_dma2 semaphore(%run_scoped3A : memref<!tpu.dma_semaphore, #tpu.memory_space<semaphore_mem>>) src(%dma_wait3A_82 : memref<624x128xf32, #tpu.memory_space<vmem_shared>>) dst(%dma_wait3A_80 : memref<624x128xf32, #tpu.memory_space<hbm>>)
      tpu.yield
    }) : () -> ()
    %eq3A_70 = arith.constant 0 : i32
    %eq3A_71 = arith.cmpi eq, %arg1, %eq3A_70 : i32
    %convert_element_type3A_72 = arith.extui %eq3A_71 : i1 to i32
    %cond3A_73 = arith.constant 0 : i32
    %cond3A_74 = arith.cmpi ne, %convert_element_type3A_72, %cond3A_73 : i32
    scf.if %cond3A_74 {
      %mul3A_75 = arith.constant 10000 : i32
      %mul3A_76 = arith.muli %arg0, %mul3A_75 : i32
      %add3A_77 = arith.constant 9984 : i32
      %add3A_78 = arith.addi %mul3A_76, %add3A_77 : i32
      "tpu.region"() ({
        %run_scoped3A = tpu.sem_alloc : memref<!tpu.dma_semaphore, #tpu.memory_space<semaphore_mem>>
        %dma_start3A_79 = arith.constant 0 : i32
        %dma_start3A_80 = tpu.memref_slice %arg5[%add3A_78, %dma_start3A_79] : memref<20000x128xf32, #tpu.memory_space<hbm>> -> memref<16x128xf32, #tpu.memory_space<hbm>>
        %dma_start3A_81 = arith.constant 9984 : i32
        %dma_start3A_82 = arith.constant 0 : i32
        %dma_start3A_83 = tpu.memref_slice %arg13[%dma_start3A_81, %dma_start3A_82] : memref<10000x128xf32, #tpu.memory_space<vmem_shared>> -> memref<16x128xf32, #tpu.memory_space<vmem_shared>>
        tpu.enqueue_dma source(%dma_start3A_83 : memref<16x128xf32, #tpu.memory_space<vmem_shared>>) target(%dma_start3A_80 : memref<16x128xf32, #tpu.memory_space<hbm>>) target_semaphore(%run_scoped3A : memref<!tpu.dma_semaphore, #tpu.memory_space<semaphore_mem>>)
        %dma_wait3A_84 = arith.constant 0 : i32
        %dma_wait3A_85 = tpu.memref_slice %arg5[%add3A_78, %dma_wait3A_84] : memref<20000x128xf32, #tpu.memory_space<hbm>> -> memref<16x128xf32, #tpu.memory_space<hbm>>
        %dma_wait3A_86 = arith.constant 9984 : i32
        %dma_wait3A_87 = arith.constant 0 : i32
        %dma_wait3A_88 = tpu.memref_slice %arg13[%dma_wait3A_86, %dma_wait3A_87] : memref<10000x128xf32, #tpu.memory_space<vmem_shared>> -> memref<16x128xf32, #tpu.memory_space<vmem_shared>>
        tpu.wait_dma2 semaphore(%run_scoped3A : memref<!tpu.dma_semaphore, #tpu.memory_space<semaphore_mem>>) src(%dma_wait3A_88 : memref<16x128xf32, #tpu.memory_space<vmem_shared>>) dst(%dma_wait3A_85 : memref<16x128xf32, #tpu.memory_space<hbm>>)
        tpu.yield
      }) : () -> ()
    } else {
    }
    return
  }
}

module attributes {stable_mosaic.version = 14 : i64} {
  func.func @_mm_body(%arg0: i32, %arg1: memref<2000x128xf32, #tpu.memory_space<vmem>>, %arg2: memref<128x128xf32, #tpu.memory_space<vmem>>, %arg3: memref<2x2000x16xf32, #tpu.memory_space<vmem>>, %arg4: memref<2000x128xf32, #tpu.memory_space<vmem>>) attributes {dimension_semantics = [#tpu.dimension_semantics<arbitrary>], iteration_bounds = array<i64: 5>, scalar_prefetch = 0 : i64, scratch_operands = 0 : i64, tpu.core_type = #tpu.core_type<tc>, window_params = [{transform_indices = @transform_0, window_bounds = array<i64: 2000, 128>}, {pipeline_mode = #tpu.pipeline_mode<synchronous>, transform_indices = @transform_1, window_bounds = array<i64: 128, 128>}, {transform_indices = @transform_2, window_bounds = array<i64: 2, 2000, 16>}, {transform_indices = @transform_3, window_bounds = array<i64: 2000, 128>}]} {
    %get3A = arith.constant 0 : index
    %get3A_0 = arith.constant 0 : index
    %get3A_1 = vector.load %arg1[%get3A, %get3A_0] : memref<2000x128xf32, #tpu.memory_space<vmem>>, vector<2000x128xf32>
    %get3A_2 = arith.constant 0 : index
    %get3A_3 = arith.constant 0 : index
    %get3A_4 = vector.load %arg2[%get3A_2, %get3A_3] : memref<128x128xf32, #tpu.memory_space<vmem>>, vector<128x128xf32>
    %dot_general3A = arith.constant dense<0.000000e+00> : vector<2000x128xf32>
    %dot_general3A_5 = tpu.matmul %get3A_1, %get3A_4, %dot_general3A {dimension_numbers = #tpu.dot_dimension_numbers<[1], [0], [0], [1], [0, 0, 1, 1], [], []>, transpose_lhs_hint = false} : vector<2000x128xf32>, vector<128x128xf32>, vector<2000x128xf32> -> vector<2000x128xf32>
    %get3A_6 = arith.constant 0 : index
    %get3A_7 = arith.constant 0 : index
    %get3A_8 = arith.constant 0 : index
    %get3A_9 = vector.load %arg3[%get3A_6, %get3A_7, %get3A_8] : memref<2x2000x16xf32, #tpu.memory_space<vmem>>, vector<1x2000x1xf32>
    %get3A_10 = vector.shape_cast %get3A_9 : vector<1x2000x1xf32> to vector<2000x1xf32>
    %get3A_11 = arith.constant 1 : index
    %get3A_12 = arith.constant 0 : index
    %get3A_13 = arith.constant 0 : index
    %get3A_14 = vector.load %arg3[%get3A_11, %get3A_12, %get3A_13] : memref<2x2000x16xf32, #tpu.memory_space<vmem>>, vector<1x2000x1xf32>
    %get3A_15 = vector.shape_cast %get3A_14 : vector<1x2000x1xf32> to vector<2000x1xf32>
    %add3A = arith.addf %get3A_10, %get3A_15 : vector<2000x1xf32>
    %rsqrt3A = math.rsqrt %add3A : vector<2000x1xf32>
    %mul3A = vector.broadcast %rsqrt3A : vector<2000x1xf32> to vector<2000x128xf32>
    %mul3A_16 = arith.mulf %dot_general3A_5, %mul3A : vector<2000x128xf32>
    %swap3A = arith.constant 0 : index
    %swap3A_17 = arith.constant 0 : index
    %swap3A_18 = vector.load %arg4[%swap3A, %swap3A_17] : memref<2000x128xf32, #tpu.memory_space<vmem>>, vector<2000x128xf32>
    tpu.vector_store %arg4[%swap3A, %swap3A_17], %mul3A_16 {strides = array<i32>} : memref<2000x128xf32, #tpu.memory_space<vmem>>, vector<2000x128xf32>,
    return
  }
  func.func @transform_0(%arg0: i32) -> (i32, i32) {
    %c0_i32 = arith.constant 0 : i32
    %c0_i32_0 = arith.constant 0 : i32
    return %arg0, %c0_i32 : i32, i32
  }
  func.func @transform_1(%arg0: i32) -> (i32, i32) {
    %c0_i32 = arith.constant 0 : i32
    %c0_i32_0 = arith.constant 0 : i32
    %c0_i32_1 = arith.constant 0 : i32
    return %c0_i32, %c0_i32_0 : i32, i32
  }
  func.func @transform_2(%arg0: i32) -> (i32, i32, i32) {
    %c0_i32 = arith.constant 0 : i32
    %c0_i32_0 = arith.constant 0 : i32
    %c0_i32_1 = arith.constant 0 : i32
    return %c0_i32, %arg0, %c0_i32_0 : i32, i32, i32
  }
  func.func @transform_3(%arg0: i32) -> (i32, i32) {
    %c0_i32 = arith.constant 0 : i32
    %c0_i32_0 = arith.constant 0 : i32
    return %arg0, %c0_i32 : i32, i32
  }
}

module attributes {stable_mosaic.version = 14 : i64} {
  func.func @_fin_body(%arg0: i32, %arg1: memref<2x2000x128xf32, #tpu.memory_space<vmem>>, %arg2: memref<2000x128xf32, #tpu.memory_space<vmem>>, %arg3: memref<2x2000x16xf32, #tpu.memory_space<vmem>>, %arg4: memref<1x128xf32, #tpu.memory_space<vmem>>, %arg5: memref<2000x128xf32, #tpu.memory_space<vmem>>) attributes {dimension_semantics = [#tpu.dimension_semantics<arbitrary>], iteration_bounds = array<i64: 5>, scalar_prefetch = 0 : i64, scratch_operands = 0 : i64, tpu.core_type = #tpu.core_type<tc>, window_params = [{transform_indices = @transform_0, window_bounds = array<i64: 2, 2000, 128>}, {transform_indices = @transform_1, window_bounds = array<i64: 2000, 128>}, {transform_indices = @transform_2, window_bounds = array<i64: 2, 2000, 16>}, {pipeline_mode = #tpu.pipeline_mode<synchronous>, transform_indices = @transform_3, window_bounds = array<i64: 1, 128>}, {transform_indices = @transform_4, window_bounds = array<i64: 2000, 128>}]} {
    %get3A = arith.constant 0 : index
    %get3A_0 = arith.constant 0 : index
    %get3A_1 = arith.constant 0 : index
    %get3A_2 = vector.load %arg3[%get3A, %get3A_0, %get3A_1] : memref<2x2000x16xf32, #tpu.memory_space<vmem>>, vector<1x2000x1xf32>
    %get3A_3 = vector.shape_cast %get3A_2 : vector<1x2000x1xf32> to vector<2000x1xf32>
    %get3A_4 = arith.constant 1 : index
    %get3A_5 = arith.constant 0 : index
    %get3A_6 = arith.constant 0 : index
    %get3A_7 = vector.load %arg3[%get3A_4, %get3A_5, %get3A_6] : memref<2x2000x16xf32, #tpu.memory_space<vmem>>, vector<1x2000x1xf32>
    %get3A_8 = vector.shape_cast %get3A_7 : vector<1x2000x1xf32> to vector<2000x1xf32>
    %add3A = arith.addf %get3A_3, %get3A_8 : vector<2000x1xf32>
    %rsqrt3A = math.rsqrt %add3A : vector<2000x1xf32>
    %get3A_9 = arith.constant 0 : index
    %get3A_10 = arith.constant 0 : index
    %get3A_11 = arith.constant 0 : index
    %get3A_12 = vector.load %arg1[%get3A_9, %get3A_10, %get3A_11] : memref<2x2000x128xf32, #tpu.memory_space<vmem>>, vector<1x2000x128xf32>
    %get3A_13 = vector.shape_cast %get3A_12 : vector<1x2000x128xf32> to vector<2000x128xf32>
    %get3A_14 = arith.constant 1 : index
    %get3A_15 = arith.constant 0 : index
    %get3A_16 = arith.constant 0 : index
    %get3A_17 = vector.load %arg1[%get3A_14, %get3A_15, %get3A_16] : memref<2x2000x128xf32, #tpu.memory_space<vmem>>, vector<1x2000x128xf32>
    %get3A_18 = vector.shape_cast %get3A_17 : vector<1x2000x128xf32> to vector<2000x128xf32>
    %add3A_19 = arith.addf %get3A_13, %get3A_18 : vector<2000x128xf32>
    %get3A_20 = arith.constant 0 : index
    %get3A_21 = arith.constant 0 : index
    %get3A_22 = vector.load %arg2[%get3A_20, %get3A_21] : memref<2000x128xf32, #tpu.memory_space<vmem>>, vector<2000x128xf32>
    %sub3A = arith.subf %add3A_19, %get3A_22 : vector<2000x128xf32>
    %mul3A = vector.broadcast %rsqrt3A : vector<2000x1xf32> to vector<2000x128xf32>
    %mul3A_23 = arith.mulf %sub3A, %mul3A : vector<2000x128xf32>
    %get3A_24 = arith.constant 0 : index
    %get3A_25 = arith.constant 0 : index
    %get3A_26 = vector.load %arg4[%get3A_24, %get3A_25] : memref<1x128xf32, #tpu.memory_space<vmem>>, vector<1x128xf32>
    %add3A_27 = vector.broadcast %get3A_26 : vector<1x128xf32> to vector<2000x128xf32>
    %add3A_28 = arith.addf %mul3A_23, %add3A_27 : vector<2000x128xf32>
    %max3A = arith.constant 0.000000e+00 : f32
    %max3A_29 = vector.broadcast %max3A : f32 to vector<2000x128xf32>
    %max3A_30 = arith.maximumf %add3A_28, %max3A_29 : vector<2000x128xf32>
    %swap3A = arith.constant 0 : index
    %swap3A_31 = arith.constant 0 : index
    %swap3A_32 = vector.load %arg5[%swap3A, %swap3A_31] : memref<2000x128xf32, #tpu.memory_space<vmem>>, vector<2000x128xf32>
    tpu.vector_store %arg5[%swap3A, %swap3A_31], %max3A_30 {strides = array<i32>} : memref<2000x128xf32, #tpu.memory_space<vmem>>, vector<2000x128xf32>,
    return
  }
  func.func @transform_0(%arg0: i32) -> (i32, i32, i32) {
    %c0_i32 = arith.constant 0 : i32
    %c0_i32_0 = arith.constant 0 : i32
    %c0_i32_1 = arith.constant 0 : i32
    return %c0_i32, %arg0, %c0_i32_0 : i32, i32, i32
  }
  func.func @transform_1(%arg0: i32) -> (i32, i32) {
    %c0_i32 = arith.constant 0 : i32
    %c0_i32_0 = arith.constant 0 : i32
    return %arg0, %c0_i32 : i32, i32
  }
  func.func @transform_2(%arg0: i32) -> (i32, i32, i32) {
    %c0_i32 = arith.constant 0 : i32
    %c0_i32_0 = arith.constant 0 : i32
    %c0_i32_1 = arith.constant 0 : i32
    return %c0_i32, %arg0, %c0_i32_0 : i32, i32, i32
  }
  func.func @transform_3(%arg0: i32) -> (i32, i32) {
    %c0_i32 = arith.constant 0 : i32
    %c0_i32_0 = arith.constant 0 : i32
    %c0_i32_1 = arith.constant 0 : i32
    return %c0_i32, %c0_i32_0 : i32, i32
  }
  func.func @transform_4(%arg0: i32) -> (i32, i32) {
    %c0_i32 = arith.constant 0 : i32
    %c0_i32_0 = arith.constant 0 : i32
    return %arg0, %c0_i32 : i32, i32
  }
}

</mosaic_0001>

<sc_bundles>
// kernel: kernel.6.cloned.1.call-start
scs
__scs_entry_jumppad:
0x0: {  	(pc) =	sbr.rel $0x88, $3  }
0x1: {  	(tag) =	ssettag $0x0;
	lr =	simm.s32 $0x1  }
0x2: {  	[smem:$0x3F9D] =	sst lr;
	_ =	strace $0xD0000000  }
0x3: {  	_ = 	snop  }
0x4: {  	_ = 	snop  }
0x5: {  	_ = 	snop  }
0x6: {  	_ = 	snop  }
0x7: {  	_ = 	snop  }
__scs_overlays_trampoline_lowered:
0x8: {  	[smem:$0x3FAC] =	sst s0  }
0x9: {  	[smem:$0x3FAD] =	sst s1  }
0xa: {  	[smem:$0x3FAE] =	sst s2  }
0xb: {  	[smem:$0x3FAF] =	sst s3  }
0xc: {  	[smem:$0x3FB0] =	sst s4  }
0xd: {  	[smem:$0x3FB1] =	sst s5  }
0xe: {  	[smem:$0x3FB2] =	sst s6  }
0xf: {  	[smem:$0x3FB3] =	sst s7  }
0x10: {  	[smem:$0x3FB4] =	sst s8  }
0x11: {  	[smem:$0x3FB5] =	sst s9;
	s0 =	simm.s32 @!p0 $0x0  }
0x12: {  	s1 =	sld [smem:$0x3F9B];
	s0 =	simm.s32 @p0 $0x1  }
0x13: {  	[smem:$0x3FB6] =	sst s0;
	s0 =	simm.s32 @!p1 $0x0  }
0x14: {  	s2 =	sld [smem:$0x3F9A];
	s0 =	simm.s32 @p1 $0x1  }
0x15: {  	[smem:$0x3FB7] =	sst s0;
	s0 =	simm.s32 @!p2 $0x0  }
0x16: {  	s3 =	sld [smem:$0x3FDB];
	s0 =	simm.s32 @p2 $0x1  }
0x17: {  	s4 =	simm.s32 $0x1BF5;
	[smem:$0x3FB9] =	sst s0  }
0x18: {  	s0 =	sld [smem:$0x3F9C];
	_ =	swait.ge [sflag:s4], $0x0  }
0x19: {  	s7 =	sld [smem:$0x3F9D]  }
0x1a: {  	s8 =	sadd.s32 $0xFFFFE003, lr  }
0x1b: {  	s9 =	sadd.s32 $0xFFFFFEF7, lr;
	s5 =	simm.s32 $0xFFFFFFFF;
	p2 =	slt.u32 s8, $0xFFFFF086  }
0x1c: {  	p1 =	slt.u32 s9, $0xF7A;
	s5 =	simm.s32 @!p2 $0x0  }
0x1d: {  	s5 =	simm.s32 @p1 $0x1;
	p0 =	seq.s32 s7, s2  }
0x1e: {  	s7 =	smul.u32 @!p0 $0xF7A, s2;
	p2 =	seq.s32 @!p0 s5, $0x0  }
0x1f: {  	s9 =	smul.u32 $0xF7A, s1;
	s8 =	simm.s32 @!p0 $0x1BF5;
	p2 =	por !p2, p0  }
0x20: {  	[sflag:s8] =	ssyncset.s32 @!p0 $0xFFFFF086;
	s6 =	sadd.s32 @!p0 s3, s7;
	s7 =	simm.s32 @!p0 $0x108  }
0x21: {  	s3 =	sadd.s32 s3, s9;
	s6 =	sadd.s32 @!p0 $0x88, s6;
	s7 =	simm.s32 @p2 $0x1082  }
0x22: {  	[simem:s7], [sflag:s8] =	dma.local @!p0 [hbm:s6], $0xF7A  }
0x23: {  	s9 =	sor.u32 $0xD0000000, s2;
	s6 =	simm.s32 $0x108;
	_ =	swait.ge @!p0 [sflag:s8], $0x0  }
0x24: {  	s3 =	sadd.s32 $0x88, s3;
	s6 =	simm.s32 @!p1 $0x1082;
	[sflag:s4] =	ssyncset.s32 $0xFFFFF086  }
0x25: {  	[simem:s6], [sflag:s4] =	dma.local [hbm:s3], $0xF7A  }
0x26: {  	[smem:$0x3F9D] =	sst s1;
	(tag) =	ssettag s2;
	_ =	strace s9  }
0x27: {  	s1 =	sld [smem:$0x3FAD]  }
0x28: {  	s2 =	sld [smem:$0x3FAE]  }
0x29: {  	s4 =	sld [smem:$0x3FB0]  }
0x2a: {  	p0 =	seq.s32 s5, $0x0;
	s5 =	sld [smem:$0x3FB1]  }
0x2b: {  	s6 =	sld [smem:$0x3FB2]  }
0x2c: {  	s7 =	sld [smem:$0x3FB3]  }
0x2d: {  	s3 =	simm.s32 $0x108;
	s8 =	sld [smem:$0x3FB4]  }
0x2e: {  	s3 =	simm.s32 @!p0 $0x1082;
	s9 =	sld [smem:$0x3FB5]  }
0x2f: {  	lr =	sadd.s32 s0, s3;
	s0 =	sld [smem:$0x3FAC]  }
0x30: {  	s3 =	sld [smem:$0x3FAF]  }
0x31: {  	[smem:$0x3FB8] =	sst s10  }
0x32: {  	s10 =	sld [smem:$0x3FB6];
	_ =	sdelay $0x3  }
0x33: {  	p0 =	seq.s32 s10, $0x1;
	s10 =	sld [smem:$0x3FB8];
	_ =	sdelay $0x3  }
0x34: {  	[smem:$0x3FB8] =	sst s10  }
0x35: {  	s10 =	sld [smem:$0x3FB7];
	_ =	sdelay $0x3  }
0x36: {  	p1 =	seq.s32 s10, $0x1;
	s10 =	sld [smem:$0x3FB8];
	_ =	sdelay $0x3  }
0x37: {  	[smem:$0x3FB8] =	sst s10  }
0x38: {  	s10 =	sld [smem:$0x3FB9]  }
0x39: {  	_ = 	snop;
	(pc) =	sbr.ind lr, $3  }
0x3a: {  	_ = 	snop  }
0x3b: {  	_ = 	snop  }
0x3c: {  	p2 =	seq.s32 s10, $0x1;
	s10 =	sld [smem:$0x3FB8]  }
0x3d: {  	_ =	shalt  }
0x3e: {  	_ =	shalt  }
0x3f: {  	_ =	shalt  }
0x40: {  	_ =	shalt  }
0x41: {  	_ =	shalt  }
0x42: {  	_ =	shalt  }
0x43: {  	_ =	shalt  }
0x44: {  	_ =	shalt  }
0x45: {  	_ =	shalt  }
0x46: {  	_ =	shalt  }
0x47: {  	_ =	shalt  }
0x48: {  	_ =	shalt  }
0x49: {  	_ =	shalt  }
0x4a: {  	_ =	shalt  }
0x4b: {  	_ =	shalt  }
0x4c: {  	_ =	shalt  }
0x4d: {  	_ =	shalt  }
0x4e: {  	_ =	shalt  }
0x4f: {  	_ =	shalt  }
0x50: {  	_ =	shalt  }
0x51: {  	_ =	shalt  }
0x52: {  	_ =	shalt  }
0x53: {  	_ =	shalt  }
0x54: {  	_ =	shalt  }
0x55: {  	_ =	shalt  }
0x56: {  	_ =	shalt  }
0x57: {  	_ =	shalt  }
0x58: {  	_ =	shalt  }
0x59: {  	_ =	shalt  }
0x5a: {  	_ =	shalt  }
0x5b: {  	_ =	shalt  }
0x5c: {  	_ =	shalt  }
0x5d: {  	_ =	shalt  }
0x5e: {  	_ =	shalt  }
0x5f: {  	_ =	shalt  }
0x60: {  	_ =	shalt  }
0x61: {  	_ =	shalt  }
0x62: {  	_ =	shalt  }
0x63: {  	_ =	shalt  }
0x64: {  	_ =	shalt  }
0x65: {  	_ =	shalt  }
0x66: {  	_ =	shalt  }
0x67: {  	_ =	shalt  }
0x68: {  	_ =	shalt  }
0x69: {  	_ =	shalt  }
0x6a: {  	_ =	shalt  }
0x6b: {  	_ =	shalt  }
0x6c: {  	_ =	shalt  }
0x6d: {  	_ =	shalt  }
0x6e: {  	_ =	shalt  }
0x6f: {  	_ =	shalt  }
0x70: {  	_ =	shalt  }
0x71: {  	_ =	shalt  }
0x72: {  	_ =	shalt  }
0x73: {  	_ =	shalt  }
0x74: {  	_ =	shalt  }
0x75: {  	_ =	shalt  }
0x76: {  	_ =	shalt  }
0x77: {  	_ =	shalt  }
0x78: {  	_ =	shalt  }
0x79: {  	_ =	shalt  }
0x7a: {  	_ =	shalt  }
0x7b: {  	_ =	shalt  }
0x7c: {  	_ =	shalt  }
0x7d: {  	_ =	shalt  }
0x7e: {  	_ =	shalt  }
0x7f: {  	_ =	shalt  }
0x80: {  	_ =	shalt  }
0x81: {  	_ =	shalt  }
0x82: {  	_ =	shalt  }
0x83: {  	_ =	shalt  }
0x84: {  	_ =	shalt  }
0x85: {  	_ =	shalt  }
0x86: {  	_ =	shalt  }
0x87: {  	_ =	shalt  }
.Lfunc_end0:
.L_simem_size_0:
called_computation_lowered:
.L_overlay_start_0:
0x88: {  	s2 =	sld [smem:$0x3FD9]  }
0x89: {  	s3 =	sld [smem:$0x3FFE];
	_ =	sdelay $0x1  }
0x8a: {  	s1 =	srdreg.scid  }
0x8b: {  	s0 =	sand.u32 $0x1, s1  }
0x8c: {  	s16 =	sshll.u32 s0, $0xA;
	s2 =	sadd.s32 s3, s2  }
0x8d: {  	s2 =	sadd.s32 s2, s16  }
0x8e: {  	[smem:$0x3FC4] =	sst s2  }
0x8f: {  	_ = 	snop  }
0x90: {  	(tm) =	ssettm $0x1  }
0x91: {  	s17 =	sld [smem:$0x3FFB];
	_ =	sdelay $0x3  }
0x92: {  	_ =	strace s17  }
0x93: {  	s2 =	sld [smem:$0x3FFC];
	_ =	sdelay $0x3  }
0x94: {  	_ =	strace s2  }
0x95: {  	s2 =	sld [smem:$0x3FFD];
	_ =	sdelay $0x3  }
0x96: {  	_ =	strace s2  }
0x97: {  	_ =	strace $0x8FFFFFFF  }
0x98: {  	s18 =	sld [smem:$0x3FDB];
	_ =	sdelay $0x1  }
0x99: {  	s19 =	simm.s32 $_scs_section_size  }
0x9a: {  	s4 =	simm.s32 $_size__tile_overlayer_lowered;
	s5 =	simm.s32 $_tile_overlayer_lowered  }
0x9b: {  	s22 =	simm.s32 $0x1BFF;
	s21 =	sshll.u32 s5, $0x1;
	s2 =	sadd.s32 s19, s18  }
0x9c: {  	s6 =	simm.s32 $0x0;
	s20 =	sshll.u32 s4, $0x1;
	s4 =	sadd.s32 s21, s2  }
0x9d: {  	[timem:s6], [sflag:s22] =	dma.local [hbm:s4], s20  }
0x9e: {  	_ =	swait.ge [sflag:s22], s20  }
0x9f: {  	s3 =	ssub.s32 $0x0, s20;
	[sflag:s22] =	ssyncset.done $0x0  }
0xa0: {  	[sflag:s22] =	ssyncadd.s32 s3;
	_ =	sdelay $0x1  }
0xa1: {  	s23 =	simm.s32 $0x1B8B  }
0xa2: {  	_ =	swait.ge [sflag:s23], $0x1  }
0xa3: {  	[sflag:s23] =	ssyncset.done $0x0  }
0xa4: {  	s25 =	simm.s32 $0x1B8E;
	s24 =	sld [smem:$0x3FFE];
	[sflag:s23] =	ssyncadd.s32 $0xFFFFFFFF  }
0xa5: {  	s26 =	simm.s32 $execute0_lowered;
	[smem:$0x3FD2] =	sst s25  }
0xa6: {  	s4 =	sshll.u32 s26, $0x1;
	_ =	strace $0x80000046;
	[dreg:$0x1] =	wrdreg $0xFFFFFFFF  }
0xa7: {  	s28 =	simm.s32 $_size_execute0_lowered;
	s2 =	sadd.s32 s2, s4;
	[dreg:$0x0] =	wrdreg $0x0  }
0xa8: {  	s4 =	sshll.u32 s28, $0x1;
	[dreg:$0x2] =	wrdreg s2  }
0xa9: {  	[dreg:$0x3] =	wrdreg s4  }
0xaa: {  	[dreg:$0x4] =	wrdreg $0xC0  }
0xab: {  	_ =	task [dreg:s6], $0x5FFFF  }
0xac: {  	[dreg:$0x1] =	wrdreg $0xFFFFFFFF  }
0xad: {  	[dreg:$0x0] =	wrdreg $0x60  }
0xae: {  	[dreg:$0x2] =	wrdreg s24  }
0xaf: {  	[dreg:$0x3] =	wrdreg $0x68000  }
0xb0: {  	[dreg:$0x4] =	wrdreg $0x9  }
0xb1: {  	_ =	task.clear_ibuf [dreg:s6], $0x5FFFF;
	_ =	strace $0x90000046  }
0xb2: {  	s29 =	simm.s32 $0x9;
	_ =	strace $0x80000048  }
0xb3: {  	_ =	swait.ge [sflag:s29], $0x1  }
0xb4: {  	[sflag:s29] =	ssyncadd.s32 $0xFFFFFFFF  }
0xb5: {  	_ =	strace $0x90000048  }
0xb6: {  	_ =	sfence  }
0xb7: {  	s30 =	sld [smem:$0x0];
	_ =	sdelay $0x2  }
0xb8: {  	s31 =	sshll.u32 s1, $0xD;
	s1 =	sshrl.u32 s1, $0x2  }
0xb9: {  	s3 =	sand.u32 $0x4000, s31;
	s1 =	sadd.s32 s1, s30  }
0xba: {  	s0 =	sor.u32 s3, s0;
	s1 =	sshll.u32 s1, $0x11  }
0xbb: {  	s0 =	sor.u32 s1, s0  }
0xbc: {  	s0 =	sadd.s32 $0x8F2B, s0  }
0xbd: {  	[sflag:s0] =	ssyncadd.remote.s32 $0x1  }
0xbe: {  	_ =	sfence.sel $0xFFFF  }
0xbf: {  	[dreg:$0x0] =	wrdreg $0xFFFFFFFF;
	(pc) =	sbr.abs _section_cstart, $3  }
0xc0: {  	[dreg:$0x1] =	wrdreg $0xFFFFFFFF  }
0xc1: {  	_ =	task.clear_ibuf [dreg:s6], $0x2FFFF;
	_ =	strace $0x9FFFFFFF  }
0xc2: {  	(tm) =	ssettm $0x7FFFFFFF  }
0xc3: {  	_ =	shalt  }
tec
execute0_lowered:
.L_overlay_start_1:
0x0: {  	(tag) =	ssettag $0x1  }
0x1: {  	s0 =	srdreg.scid;
	s4 =	rddreg [dreg:$0x0]  }
0x2: {  	s1 =	rddreg [dreg:$0x1];
	s2 =	stileid.u32  }
0x3: {  	s3 =	simm.s32 $0x0;
	s16 =	simm.s32 $0x2800;
	s17 =	simm.s32 $0x7D  }
0x4: {  	s18 =	simm.s32 $0x80;
	s19 =	simm.s32 $0x100;
	s20 =	simm.s32 $0x180  }
0x5: {  	s21 =	simm.s32 $0x200;
	s22 =	simm.s32 $0x280;
	s23 =	simm.s32 $0x300  }
0x6: {  	s24 =	simm.s32 $0x380;
	s25 =	simm.s32 $0x1;
	s26 =	simm.s32 $0x0  }
0x7: {  	s7 =	sand.u32 $0x1, s0;
	s0 =	rddreg [dreg:$0x2];
	s6 =	smul.u32 $0x4E000, s2  }
0x8: {  	[smem:$0x7FF] =	sst s3;
	s13 =	sadd.s32 $0xB400, s4;
	s11 =	smul.u32 $0x2700, s2  }
0x9: {  	p0 =	sne.s32 s2, $0x0;
	s5 =	sshll.u32 s7, $0x4;
	s12 =	smul.u32 $0x27100, s7  }
0xa: {  	_ =	strace $0x80000047;
	s31 =	ssub.s32 $0x2, s7;
	s15 =	smul.u32 $0x138800, s7  }
0xb: {  	s5 =	sor.u32 s2, s5;
	s8 =	sshrl.u32 s31, $0x1;
	s6 =	sshrl.u32 s6, $0x2  }
0xc: {  	s5 =	smul.u32 $0x500, s5;
	s14 =	ssub.s32 s31, s8;
	s12 =	sadd.s32 s11, s12  }
0xd: {  	s15 =	sshrl.u32 s15, $0x3;
	s11 =	sadd.s32 $0x138000, s1;
	s12 =	sadd.s32 s13, s12  }
0xe: {  	s13 =	sadd.s32 s13, s15;
	s14 =	smax.u32 s14, $0x1;
	s15 =	simm.s32 $0x2  }
0xf: {  	s5 =	sadd.s32 s5, s4;
	s4 =	sadd.s32 s6, s1;
	s13 =	sadd.s32 $0x27000, s13  }
0x10: {  	s5 =	sadd.s32 $0x1400, s5;
	s6 =	sadd.s32 $0x3400, s4;
	s7 =	sadd.s32 $0x6800, s4  }
0x11: {  	v0 =	vimm.f32 $0.0e+00;
	v1 =	vimm.f32 $1.000000000e+00;
	s8 =	sadd.s32 $0x9C00, s4;
	s9 =	sadd.s32 $0xD000, s4;
	s10 =	sadd.s32 $0x10400, s4  }
.LBB2_1:
0x12: {  	[tilespmem:s3], [sflag:$0x2] =	stream.linear.gather [hbm4b:s5+s3], $0x2800, $0x38;
	[tilespmem:$0x8F10] =	vst v63  }
0x13: {  	_ =	swait.ge [sflag:s15], $0x2800  }
0x14: {  	[sflag:s15] =	ssyncset.done $0x0  }
0x15: {  	s28 =	simm.s32 $0x200;
	s29 =	simm.s32 $0x0;
	[sflag:s15] =	ssyncadd.s32 $0xFFFFD800  }
.LBB2_2:
0x16: {  	p1 =	sne.s32 s28, $0xFE00;
	[tilespmem:s29+$0x2800] =	vst v0;
	s29 =	smov.u32 s28;
	s28 =	sadd.s32 $0x200, s28  }
.Ltmp0:
0x17: {  	(pc) =	sbr.rel @p1 .LBB2_2-.Ltmp0, $2  }
0x18: {  	_ =	sdelay $0x2  }
0x19: {  	s29 =	sshra.s32 s29, $0x2  }
0x1a: {  	[tilespmem:s29+$0x2800] =	vst v0  }
0x1b: {  	[spmem:s4] =	stream.linear.scatter [tilespmem:s16], [sflag:$0x2], $0x3400, $0x38;
	[tilespmem:$0x8F10] =	vst v63  }
0x1c: {  	_ =	swait.ge [sflag:s15], $0x3400  }
0x1d: {  	[sflag:s15] =	ssyncset.done $0x0  }
0x1e: {  	[sflag:s15] =	ssyncadd.s32 $0xFFFFCC00  }
0x1f: {  	[spmem:s6] =	stream.linear.scatter [tilespmem:s16], [sflag:$0x2], $0x3400, $0x38;
	[tilespmem:$0x8F10] =	vst v63  }
0x20: {  	_ =	swait.ge [sflag:s15], $0x3400  }
0x21: {  	[sflag:s15] =	ssyncset.done $0x0  }
0x22: {  	[sflag:s15] =	ssyncadd.s32 $0xFFFFCC00  }
0x23: {  	[spmem:s7] =	stream.linear.scatter [tilespmem:s16], [sflag:$0x2], $0x3400, $0x38;
	[tilespmem:$0x8F10] =	vst v63  }
0x24: {  	_ =	swait.ge [sflag:s15], $0x3400  }
0x25: {  	[sflag:s15] =	ssyncset.done $0x0  }
0x26: {  	[sflag:s15] =	ssyncadd.s32 $0xFFFFCC00  }
0x27: {  	[spmem:s8] =	stream.linear.scatter [tilespmem:s16], [sflag:$0x2], $0x3400, $0x38;
	[tilespmem:$0x8F10] =	vst v63  }
0x28: {  	_ =	swait.ge [sflag:s15], $0x3400  }
0x29: {  	[sflag:s15] =	ssyncset.done $0x0  }
0x2a: {  	[sflag:s15] =	ssyncadd.s32 $0xFFFFCC00  }
0x2b: {  	[spmem:s9] =	stream.linear.scatter [tilespmem:s16], [sflag:$0x2], $0x3400, $0x38;
	[tilespmem:$0x8F10] =	vst v63  }
0x2c: {  	_ =	swait.ge [sflag:s15], $0x3400  }
0x2d: {  	[sflag:s15] =	ssyncset.done $0x0  }
0x2e: {  	[sflag:s15] =	ssyncadd.s32 $0xFFFFCC00  }
0x2f: {  	[spmem:s10] =	stream.linear.scatter [tilespmem:s16], [sflag:$0x2], $0x3400, $0x38;
	[tilespmem:$0x8F10] =	vst v63  }
0x30: {  	_ =	swait.ge [sflag:s15], $0x3400  }
0x31: {  	[sflag:s15] =	ssyncset.done $0x0  }
0x32: {  	s28 =	simm.s32 @!p0 $0x2800;
	[sflag:s15] =	ssyncadd.s32 $0xFFFFCC00  }
0x33: {  	[spmem:s11] =	stream.linear.scatter @!p0 [tilespmem:s28], [sflag:$0x2], $0x800, $0x38;
	[tilespmem:$0x8F10] =	vst v63  }
0x34: {  	s28 =	simm.s32 @!p0 $0x2  }
0x35: {  	_ =	swait.ge @!p0 [sflag:s28], $0x800  }
0x36: {  	[sflag:s28] =	ssyncset.done @!p0 $0x0  }
0x37: {  	[sflag:s28] =	ssyncadd.s32 @!p0 $0xFFFFF800  }
0x38: {  	s29 =	simm.s32 $0x0;
	s28 =	simm.s32 $0x200;
	[bflag:$0x0] =	sbarrier.arrive $0xFFFF  }
.LBB2_4:
0x39: {  	p1 =	sne.s32 s28, $0xFE00;
	[tilespmem:s29+$0x2800] =	vst v1;
	s29 =	smov.u32 s28;
	s28 =	sadd.s32 $0x200, s28  }
.Ltmp1:
0x3a: {  	(pc) =	sbr.rel @p1 .LBB2_4-.Ltmp1, $2  }
0x3b: {  	_ =	sdelay $0x2  }
0x3c: {  	s29 =	sshra.s32 s29, $0x2  }
0x3d: {  	[tilespmem:s29+$0x2800] =	vst v1  }
0x3e: {  	[spmem:s1] =	stream.indirect.scatter.add.f32 [tilespmem:s16], [sflag:$0x1], $0x10, s3, s17, $0xb8;
	[tilespmem:$0x8F10] =	vst v63  }
0x3f: {  	_ = 	snop  }
0x40: {  	[spmem:s1] =	stream.indirect.scatter.add.f32 [tilespmem:s16], [sflag:$0x1], $0x10, s18, s17, $0xb8;
	[tilespmem:$0x8F10] =	vst v63  }
0x41: {  	_ = 	snop  }
0x42: {  	[spmem:s1] =	stream.indirect.scatter.add.f32 [tilespmem:s16], [sflag:$0x1], $0x10, s19, s17, $0xb8;
	[tilespmem:$0x8F10] =	vst v63  }
0x43: {  	_ = 	snop  }
0x44: {  	[spmem:s1] =	stream.indirect.scatter.add.f32 [tilespmem:s16], [sflag:$0x1], $0x10, s20, s17, $0xb8;
	[tilespmem:$0x8F10] =	vst v63  }
0x45: {  	_ = 	snop  }
0x46: {  	[spmem:s1] =	stream.indirect.scatter.add.f32 [tilespmem:s16], [sflag:$0x1], $0x10, s21, s17, $0xb8;
	[tilespmem:$0x8F10] =	vst v63  }
0x47: {  	_ = 	snop  }
0x48: {  	[spmem:s1] =	stream.indirect.scatter.add.f32 [tilespmem:s16], [sflag:$0x1], $0x10, s22, s17, $0xb8;
	[tilespmem:$0x8F10] =	vst v63  }
0x49: {  	_ = 	snop  }
0x4a: {  	[spmem:s1] =	stream.indirect.scatter.add.f32 [tilespmem:s16], [sflag:$0x1], $0x10, s23, s17, $0xb8;
	[tilespmem:$0x8F10] =	vst v63  }
0x4b: {  	_ = 	snop  }
0x4c: {  	[spmem:s1] =	stream.indirect.scatter.add.f32 [tilespmem:s16], [sflag:$0x1], $0x10, s24, s17, $0xb8;
	[tilespmem:$0x8F10] =	vst v63  }
0x4d: {  	_ =	swait.ge [sflag:s25], $0x7D0  }
0x4e: {  	[sflag:s25] =	ssyncset.done $0x0  }
0x4f: {  	s28 =	simm.s32 $0x1200;
	s29 =	simm.s32 $0x400;
	[sflag:s25] =	ssyncadd.s32 $0xFFFFF830  }
.LBB2_6:
0x50: {  	[spmem:s1] =	stream.indirect.scatter.add.f32 [tilespmem:s16], [sflag:$0x1], $0x10, s29, s17, $0xb8;
	[tilespmem:$0x8F10] =	vst v63  }
0x51: {  	s29 =	smov.u32 s28;
	p1 =	sne.s32 s28, $0x9E00  }
.Ltmp2:
0x52: {  	s28 =	sadd.s32 $0x200, s28;
	(pc) =	sbr.rel @p1 .LBB2_6-.Ltmp2, $4  }
0x53: {  	_ = 	snop  }
0x54: {  	_ =	swait.ge [sflag:s25], $0x7D0  }
0x55: {  	[sflag:s25] =	ssyncset.done $0x0  }
0x56: {  	s29 =	sshra.s32 s29, $0x2;
	[sflag:s25] =	ssyncadd.s32 $0xFFFFF830  }
0x57: {  	[spmem:s1] =	stream.indirect.scatter.add.f32 [tilespmem:s16], [sflag:$0x1], $0x10, s29, s17, $0xb8;
	[tilespmem:$0x8F10] =	vst v63  }
0x58: {  	_ =	swait.ge [sflag:s25], $0x7D0  }
0x59: {  	[sflag:s25] =	ssyncset.done $0x0  }
0x5a: {  	[sflag:s25] =	ssyncadd.s32 $0xFFFFF830  }
0x5b: {  	_ =	swait.ge [sflag:s25], $0x7D0  }
0x5c: {  	[sflag:s25] =	ssyncset.done $0x0  }
0x5d: {  	[sflag:s25] =	ssyncadd.s32 $0xFFFFF830  }
0x5e: {  	_ =	swait.ge [sflag:s25], $0x7D0  }
0x5f: {  	[sflag:s25] =	ssyncset.done $0x0  }
0x60: {  	[sflag:s25] =	ssyncadd.s32 $0xFFFFF830  }
0x61: {  	_ =	swait.ge [sflag:s25], $0x7D0  }
0x62: {  	[sflag:s25] =	ssyncset.done $0x0  }
0x63: {  	[sflag:s25] =	ssyncadd.s32 $0xFFFFF830  }
0x64: {  	_ =	swait.ge [sflag:s25], $0x7D0  }
0x65: {  	[sflag:s25] =	ssyncset.done $0x0  }
0x66: {  	[sflag:s25] =	ssyncadd.s32 $0xFFFFF830  }
0x67: {  	_ =	swait.ge [sflag:s25], $0x7D0  }
0x68: {  	[sflag:s25] =	ssyncset.done $0x0  }
0x69: {  	[sflag:s25] =	ssyncadd.s32 $0xFFFFF830  }
0x6a: {  	_ =	swait.ge [sflag:s25], $0x7D0  }
0x6b: {  	[sflag:s25] =	ssyncset.done $0x0  }
0x6c: {  	[sflag:s25] =	ssyncadd.s32 $0xFFFFF830  }
0x6d: {  	_ =	swait.ge [sflag:s25], $0x7D0  }
0x6e: {  	[sflag:s25] =	ssyncset.done $0x0  }
0x6f: {  	s28 =	sshll.u32 s2, $0x6;
	[sflag:s25] =	ssyncadd.s32 $0xFFFFF830  }
0x70: {  	s31 =	sshrl.u32 s4, $0x3;
	s28 =	sor.u32 $0x1C02, s28;
	[bflag:$0x0] =	sbarrier.arrive $0xFFFF  }
0x71: {  	[hbm:s12], [sflag:s28] =	dma.local [spmem:s31], $0x2700  }
0x72: {  	_ =	swait.ge [sflag:s15], $0x2700  }
0x73: {  	s26 =	sadd.s32 $0x1, s26;
	[sflag:s15] =	ssyncset.done $0x0  }
0x74: {  	s29 =	sshrl.u32 @!p0 s11, $0x3;
	p1 =	sne.s32 s26, s14;
	[sflag:s15] =	ssyncadd.s32 $0xFFFFD900  }
0x75: {  	[hbm:s13], [sflag:s28] =	dma.local @!p0 [spmem:s29], $0x100  }
.Ltmp3:
0x76: {  	_ = 	snop;
	(pc) =	sbr.rel @p1 .LBB2_1-.Ltmp3, $4  }
0x77: {  	s28 =	simm.s32 @!p0 $0x2  }
0x78: {  	_ =	swait.ge @!p0 [sflag:s28], $0x100  }
0x79: {  	[sflag:s28] =	ssyncset.done @!p0 $0x0  }
0x7a: {  	[sflag:s28] =	ssyncadd.s32 @!p0 $0xFFFFFF00  }
0x7b: {  	_ =	sfence.sel $0x180000  }
0x7c: {  	[bflag:$0x0] =	sbarrier.arrive $0xFFFF  }
0x7d: {  	_ =	strace $0x90000047  }
0x7e: {  	s0 =	sadd.s32 @!p0 $0x100000, s0;
	[bflag:$0x2] =	sbarrier.arrive $0xFFFF  }
0x7f: {  	[sflag:s0] =	ssyncadd.tile.s32 @!p0 $0x1;
	_ =	shalt  }
.Lfunc_end2:
_tile_overlayer_lowered:
.L_overlay_start_2:
0x80: {  	(tag) =	ssettag $0x2  }
0x81: {  	s0 =	rddreg [dreg:$0x0];
	s2 =	stileid.u32  }
0x82: {  	s1 =	rddreg [dreg:$0x1];
	p0 =	sne.s32 s2, $0x0  }
0x83: {  	s3 =	rddreg [dreg:$0x2];
	[bflag:$0x3] =	sbarrier.arrive $0xFFFF;
	s2 =	simm.s32 @!p0 $0x1C02  }
0x84: {  	[timem:s3], [sflag:s2] =	dma.local @!p0 [hbm:s0], s1  }
0x85: {  	s0 =	simm.s32 @!p0 $0x2  }
0x86: {  	_ =	swait.ge @!p0 [sflag:s0], s1  }
0x87: {  	s1 =	ssub.s32 @!p0 $0x0, s1;
	[sflag:s0] =	ssyncset.done @!p0 $0x0  }
0x88: {  	[sflag:s0] =	ssyncadd.s32 @!p0 s1  }
0x89: {  	[bflag:$0x3] =	sbarrier.arrive $0xFFFF  }
0x8a: {  	_ =	shalt  }

// kernel: kernel.9.cloned.1.call-start
scs
__scs_entry_jumppad:
0x0: {  	(pc) =	sbr.rel $0x88, $3  }
0x1: {  	(tag) =	ssettag $0x0;
	lr =	simm.s32 $0x1  }
0x2: {  	[smem:$0x3F9D] =	sst lr;
	_ =	strace $0xD0000000  }
0x3: {  	_ = 	snop  }
0x4: {  	_ = 	snop  }
0x5: {  	_ = 	snop  }
0x6: {  	_ = 	snop  }
0x7: {  	_ = 	snop  }
__scs_overlays_trampoline_lowered:
0x8: {  	[smem:$0x3FAC] =	sst s0  }
0x9: {  	[smem:$0x3FAD] =	sst s1  }
0xa: {  	[smem:$0x3FAE] =	sst s2  }
0xb: {  	[smem:$0x3FAF] =	sst s3  }
0xc: {  	[smem:$0x3FB0] =	sst s4  }
0xd: {  	[smem:$0x3FB1] =	sst s5  }
0xe: {  	[smem:$0x3FB2] =	sst s6  }
0xf: {  	[smem:$0x3FB3] =	sst s7  }
0x10: {  	[smem:$0x3FB4] =	sst s8  }
0x11: {  	[smem:$0x3FB5] =	sst s9;
	s0 =	simm.s32 @!p0 $0x0  }
0x12: {  	s1 =	sld [smem:$0x3F9B];
	s0 =	simm.s32 @p0 $0x1  }
0x13: {  	[smem:$0x3FB6] =	sst s0;
	s0 =	simm.s32 @!p1 $0x0  }
0x14: {  	s2 =	sld [smem:$0x3F9A];
	s0 =	simm.s32 @p1 $0x1  }
0x15: {  	[smem:$0x3FB7] =	sst s0;
	s0 =	simm.s32 @!p2 $0x0  }
0x16: {  	s3 =	sld [smem:$0x3FDB];
	s0 =	simm.s32 @p2 $0x1  }
0x17: {  	s4 =	simm.s32 $0x1BF5;
	[smem:$0x3FB9] =	sst s0  }
0x18: {  	s0 =	sld [smem:$0x3F9C];
	_ =	swait.ge [sflag:s4], $0x0  }
0x19: {  	s7 =	sld [smem:$0x3F9D]  }
0x1a: {  	s8 =	sadd.s32 $0xFFFFE003, lr  }
0x1b: {  	s9 =	sadd.s32 $0xFFFFFEF7, lr;
	s5 =	simm.s32 $0xFFFFFFFF;
	p2 =	slt.u32 s8, $0xFFFFF086  }
0x1c: {  	p1 =	slt.u32 s9, $0xF7A;
	s5 =	simm.s32 @!p2 $0x0  }
0x1d: {  	s5 =	simm.s32 @p1 $0x1;
	p0 =	seq.s32 s7, s2  }
0x1e: {  	s7 =	smul.u32 @!p0 $0xF7A, s2;
	p2 =	seq.s32 @!p0 s5, $0x0  }
0x1f: {  	s9 =	smul.u32 $0xF7A, s1;
	s8 =	simm.s32 @!p0 $0x1BF5;
	p2 =	por !p2, p0  }
0x20: {  	[sflag:s8] =	ssyncset.s32 @!p0 $0xFFFFF086;
	s6 =	sadd.s32 @!p0 s3, s7;
	s7 =	simm.s32 @!p0 $0x108  }
0x21: {  	s3 =	sadd.s32 s3, s9;
	s6 =	sadd.s32 @!p0 $0x88, s6;
	s7 =	simm.s32 @p2 $0x1082  }
0x22: {  	[simem:s7], [sflag:s8] =	dma.local @!p0 [hbm:s6], $0xF7A  }
0x23: {  	s9 =	sor.u32 $0xD0000000, s2;
	s6 =	simm.s32 $0x108;
	_ =	swait.ge @!p0 [sflag:s8], $0x0  }
0x24: {  	s3 =	sadd.s32 $0x88, s3;
	s6 =	simm.s32 @!p1 $0x1082;
	[sflag:s4] =	ssyncset.s32 $0xFFFFF086  }
0x25: {  	[simem:s6], [sflag:s4] =	dma.local [hbm:s3], $0xF7A  }
0x26: {  	[smem:$0x3F9D] =	sst s1;
	(tag) =	ssettag s2;
	_ =	strace s9  }
0x27: {  	s1 =	sld [smem:$0x3FAD]  }
0x28: {  	s2 =	sld [smem:$0x3FAE]  }
0x29: {  	s4 =	sld [smem:$0x3FB0]  }
0x2a: {  	p0 =	seq.s32 s5, $0x0;
	s5 =	sld [smem:$0x3FB1]  }
0x2b: {  	s6 =	sld [smem:$0x3FB2]  }
0x2c: {  	s7 =	sld [smem:$0x3FB3]  }
0x2d: {  	s3 =	simm.s32 $0x108;
	s8 =	sld [smem:$0x3FB4]  }
0x2e: {  	s3 =	simm.s32 @!p0 $0x1082;
	s9 =	sld [smem:$0x3FB5]  }
0x2f: {  	lr =	sadd.s32 s0, s3;
	s0 =	sld [smem:$0x3FAC]  }
0x30: {  	s3 =	sld [smem:$0x3FAF]  }
0x31: {  	[smem:$0x3FB8] =	sst s10  }
0x32: {  	s10 =	sld [smem:$0x3FB6];
	_ =	sdelay $0x3  }
0x33: {  	p0 =	seq.s32 s10, $0x1;
	s10 =	sld [smem:$0x3FB8];
	_ =	sdelay $0x3  }
0x34: {  	[smem:$0x3FB8] =	sst s10  }
0x35: {  	s10 =	sld [smem:$0x3FB7];
	_ =	sdelay $0x3  }
0x36: {  	p1 =	seq.s32 s10, $0x1;
	s10 =	sld [smem:$0x3FB8];
	_ =	sdelay $0x3  }
0x37: {  	[smem:$0x3FB8] =	sst s10  }
0x38: {  	s10 =	sld [smem:$0x3FB9]  }
0x39: {  	_ = 	snop;
	(pc) =	sbr.ind lr, $3  }
0x3a: {  	_ = 	snop  }
0x3b: {  	_ = 	snop  }
0x3c: {  	p2 =	seq.s32 s10, $0x1;
	s10 =	sld [smem:$0x3FB8]  }
0x3d: {  	_ =	shalt  }
0x3e: {  	_ =	shalt  }
0x3f: {  	_ =	shalt  }
0x40: {  	_ =	shalt  }
0x41: {  	_ =	shalt  }
0x42: {  	_ =	shalt  }
0x43: {  	_ =	shalt  }
0x44: {  	_ =	shalt  }
0x45: {  	_ =	shalt  }
0x46: {  	_ =	shalt  }
0x47: {  	_ =	shalt  }
0x48: {  	_ =	shalt  }
0x49: {  	_ =	shalt  }
0x4a: {  	_ =	shalt  }
0x4b: {  	_ =	shalt  }
0x4c: {  	_ =	shalt  }
0x4d: {  	_ =	shalt  }
0x4e: {  	_ =	shalt  }
0x4f: {  	_ =	shalt  }
0x50: {  	_ =	shalt  }
0x51: {  	_ =	shalt  }
0x52: {  	_ =	shalt  }
0x53: {  	_ =	shalt  }
0x54: {  	_ =	shalt  }
0x55: {  	_ =	shalt  }
0x56: {  	_ =	shalt  }
0x57: {  	_ =	shalt  }
0x58: {  	_ =	shalt  }
0x59: {  	_ =	shalt  }
0x5a: {  	_ =	shalt  }
0x5b: {  	_ =	shalt  }
0x5c: {  	_ =	shalt  }
0x5d: {  	_ =	shalt  }
0x5e: {  	_ =	shalt  }
0x5f: {  	_ =	shalt  }
0x60: {  	_ =	shalt  }
0x61: {  	_ =	shalt  }
0x62: {  	_ =	shalt  }
0x63: {  	_ =	shalt  }
0x64: {  	_ =	shalt  }
0x65: {  	_ =	shalt  }
0x66: {  	_ =	shalt  }
0x67: {  	_ =	shalt  }
0x68: {  	_ =	shalt  }
0x69: {  	_ =	shalt  }
0x6a: {  	_ =	shalt  }
0x6b: {  	_ =	shalt  }
0x6c: {  	_ =	shalt  }
0x6d: {  	_ =	shalt  }
0x6e: {  	_ =	shalt  }
0x6f: {  	_ =	shalt  }
0x70: {  	_ =	shalt  }
0x71: {  	_ =	shalt  }
0x72: {  	_ =	shalt  }
0x73: {  	_ =	shalt  }
0x74: {  	_ =	shalt  }
0x75: {  	_ =	shalt  }
0x76: {  	_ =	shalt  }
0x77: {  	_ =	shalt  }
0x78: {  	_ =	shalt  }
0x79: {  	_ =	shalt  }
0x7a: {  	_ =	shalt  }
0x7b: {  	_ =	shalt  }
0x7c: {  	_ =	shalt  }
0x7d: {  	_ =	shalt  }
0x7e: {  	_ =	shalt  }
0x7f: {  	_ =	shalt  }
0x80: {  	_ =	shalt  }
0x81: {  	_ =	shalt  }
0x82: {  	_ =	shalt  }
0x83: {  	_ =	shalt  }
0x84: {  	_ =	shalt  }
0x85: {  	_ =	shalt  }
0x86: {  	_ =	shalt  }
0x87: {  	_ =	shalt  }
.Lfunc_end0:
.L_simem_size_0:
called_computation.1_lowered:
.L_overlay_start_0:
0x88: {  	s2 =	sld [smem:$0x3FD9]  }
0x89: {  	s3 =	sld [smem:$0x3FFE];
	_ =	sdelay $0x1  }
0x8a: {  	s1 =	srdreg.scid  }
0x8b: {  	s0 =	sand.u32 $0x1, s1  }
0x8c: {  	s17 =	sshll.u32 s0, $0xA;
	s2 =	sadd.s32 s3, s2  }
0x8d: {  	s2 =	sadd.s32 s2, s17  }
0x8e: {  	[smem:$0x3FC4] =	sst s2  }
0x8f: {  	_ = 	snop  }
0x90: {  	s2 =	sld [smem:$0x3FD0];
	(tm) =	ssettm $0x1  }
0x91: {  	s18 =	sld [smem:$0x3FFB];
	_ =	sdelay $0x3  }
0x92: {  	_ =	strace s18  }
0x93: {  	s3 =	sld [smem:$0x3FFC];
	_ =	sdelay $0x3  }
0x94: {  	_ =	strace s3  }
0x95: {  	s3 =	sld [smem:$0x3FFD];
	_ =	sdelay $0x3  }
0x96: {  	_ =	strace s3  }
0x97: {  	_ =	strace $0x8FFFFFFF  }
0x98: {  	s19 =	sld [smem:$0x3FDB];
	_ =	sdelay $0x1  }
0x99: {  	s4 =	simm.s32 $_scs_section_size  }
0x9a: {  	s5 =	simm.s32 $_size__tile_overlayer_lowered;
	s6 =	simm.s32 $_tile_overlayer_lowered  }
0x9b: {  	s22 =	simm.s32 $0x1BFF;
	s21 =	sshll.u32 s6, $0x1;
	s3 =	sadd.s32 s4, s19  }
0x9c: {  	s7 =	simm.s32 $0x0;
	s20 =	sshll.u32 s5, $0x1;
	s5 =	sadd.s32 s21, s3  }
0x9d: {  	[timem:s7], [sflag:s22] =	dma.local [hbm:s5], s20  }
0x9e: {  	_ =	swait.ge [sflag:s22], s20  }
0x9f: {  	s4 =	ssub.s32 $0x0, s20;
	[sflag:s22] =	ssyncset.done $0x0  }
0xa0: {  	[sflag:s22] =	ssyncadd.s32 s4;
	_ =	sdelay $0x1  }
0xa1: {  	s23 =	simm.s32 $0x1B8B  }
0xa2: {  	_ =	swait.ge [sflag:s23], $0x1  }
0xa3: {  	[sflag:s23] =	ssyncset.done $0x0  }
0xa4: {  	s25 =	simm.s32 $0x1B8E;
	s24 =	sld [smem:$0x3FFE];
	[sflag:s23] =	ssyncadd.s32 $0xFFFFFFFF  }
0xa5: {  	s26 =	simm.s32 $execute0_lowered;
	[smem:$0x3FD2] =	sst s25  }
0xa6: {  	s5 =	sshll.u32 s26, $0x1;
	_ =	strace $0x80000049;
	[dreg:$0x1] =	wrdreg $0xFFFFFFFF  }
0xa7: {  	s28 =	simm.s32 $_size_execute0_lowered;
	s3 =	sadd.s32 s3, s5;
	[dreg:$0x0] =	wrdreg $0x0  }
0xa8: {  	s5 =	sshll.u32 s28, $0x1;
	[dreg:$0x2] =	wrdreg s3  }
0xa9: {  	[dreg:$0x3] =	wrdreg s5  }
0xaa: {  	[dreg:$0x4] =	wrdreg $0xC0  }
0xab: {  	_ =	task [dreg:s7], $0x5FFFF  }
0xac: {  	[dreg:$0x1] =	wrdreg $0xFFFFFFFF  }
0xad: {  	[dreg:$0x0] =	wrdreg $0x60  }
0xae: {  	[dreg:$0x2] =	wrdreg s2  }
0xaf: {  	[dreg:$0x3] =	wrdreg s24  }
0xb0: {  	[dreg:$0x4] =	wrdreg $0xA8000  }
0xb1: {  	[dreg:$0x5] =	wrdreg $0x9  }
0xb2: {  	_ =	task.clear_ibuf [dreg:s7], $0x6FFFF;
	_ =	strace $0x90000049  }
0xb3: {  	s29 =	simm.s32 $0x9;
	_ =	strace $0x8000004B  }
0xb4: {  	_ =	swait.ge [sflag:s29], $0x1  }
0xb5: {  	[sflag:s29] =	ssyncadd.s32 $0xFFFFFFFF  }
0xb6: {  	_ =	strace $0x9000004B  }
0xb7: {  	_ =	sfence  }
0xb8: {  	s30 =	sld [smem:$0x0];
	_ =	sdelay $0x2  }
0xb9: {  	s31 =	sshll.u32 s1, $0xD;
	s1 =	sshrl.u32 s1, $0x2  }
0xba: {  	s3 =	sand.u32 $0x4000, s31;
	s1 =	sadd.s32 s1, s30  }
0xbb: {  	s0 =	sor.u32 s3, s0;
	s1 =	sshll.u32 s1, $0x11  }
0xbc: {  	s0 =	sor.u32 s1, s0  }
0xbd: {  	s0 =	sadd.s32 $0x8F2B, s0  }
0xbe: {  	[sflag:s0] =	ssyncadd.remote.s32 $0x1  }
0xbf: {  	_ =	sfence.sel $0xFFFF  }
0xc0: {  	[dreg:$0x0] =	wrdreg $0xFFFFFFFF;
	(pc) =	sbr.abs _section_cstart, $3  }
0xc1: {  	[dreg:$0x1] =	wrdreg $0xFFFFFFFF  }
0xc2: {  	_ =	task.clear_ibuf [dreg:s7], $0x2FFFF;
	_ =	strace $0x9FFFFFFF  }
0xc3: {  	(tm) =	ssettm $0x7FFFFFFF  }
tec
execute0_lowered:
.L_overlay_start_1:
0x0: {  	(tag) =	ssettag $0x1  }
0x1: {  	s1 =	rddreg [dreg:$0x0]  }
0x2: {  	s4 =	rddreg [dreg:$0x1]  }
0x3: {  	s2 =	rddreg [dreg:$0x2];
	s5 =	srdreg.scid;
	s3 =	simm.s32 $0x0  }
0x4: {  	s15 =	stileid.u32;
	s21 =	simm.s32 $0x7D;
	s22 =	simm.s32 $0x2800  }
0x5: {  	s23 =	simm.s32 $0x6800;
	s28 =	simm.s32 $0x2780;
	s29 =	simm.s32 $0x0  }
0x6: {  	s9 =	sand.u32 $0x1, s5;
	[smem:$0x7FF] =	sst s3;
	s10 =	sadd.s32 $0x1400, s4  }
0x7: {  	s11 =	sadd.s32 $0x59600, s4;
	s12 =	sadd.s32 $0x63600, s4;
	s8 =	smul.u32 $0x4E000, s15  }
0x8: {  	s13 =	smul.u32 $0x2700, s15;
	s19 =	sadd.s32 $0x138000, s2;
	p0 =	sne.s32 s15, $0x0  }
0x9: {  	s5 =	sshll.u32 s9, $0x4;
	_ =	strace $0x8000004A;
	s18 =	smul.u32 $0x138800, s9  }
0xa: {  	s24 =	ssub.s32 $0x2, s9;
	s20 =	smul.u32 $0x27100, s9;
	s6 =	sor.u32 s15, s5  }
0xb: {  	s9 =	sadd.s32 $0x27000, s1;
	s25 =	sshrl.u32 s24, $0x1;
	s7 =	smul.u32 $0x500, s6  }
0xc: {  	s30 =	sshrl.u32 s8, $0x2;
	s14 =	ssub.s32 s24, s25;
	s16 =	smul.u32 $0x2800, s6  }
0xd: {  	s17 =	sadd.s32 s30, s2;
	s6 =	sadd.s32 s1, s13;
	s18 =	sshrl.u32 s18, $0x3  }
0xe: {  	s13 =	sadd.s32 s13, s20;
	s20 =	simm.s32 $0x3;
	s24 =	simm.s32 $0x4  }
0xf: {  	s25 =	simm.s32 $0x1380;
	s31 =	sadd.s32 s12, s18;
	s12 =	sadd.s32 s12, s13  }
0x10: {  	s14 =	smax.u32 s14, $0x1;
	s18 =	simm.s32 $0x1;
	s0 =	sadd.s32 s10, s7  }
0x11: {  	s26 =	sadd.s32 s11, s7;
	s7 =	sshll.u32 s15, $0x6;
	s16 =	sshrl.u32 s16, $0x3  }
0x12: {  	s13 =	sadd.s32 $0x27000, s31;
	s15 =	simm.s32 $0x1400;
	[dreg:$0x4] =	wrdreg s0  }
0x13: {  	[dreg:$0x5] =	wrdreg s26;
	s8 =	sor.u32 $0x1C03, s7;
	s16 =	sadd.s32 $0x280, s16  }
0x14: {  	s26 =	simm.s32 $0x2700;
	s10 =	sadd.s32 s10, s16;
	s11 =	sadd.s32 s11, s16  }
0x15: {  	s16 =	sshrl.u32 s17, $0x3;
	s17 =	sshrl.u32 @!p0 s19, $0x3;
	s19 =	simm.s32 $0x2  }
.LBB2_1:
0x16: {  	s0 =	rddreg [dreg:$0x4]  }
0x17: {  	[tilespmem:s3], [sflag:$0x1] =	stream.linear.gather [hbm4b:s0+s3], $0x1400, $0x38;
	[tilespmem:$0x1E080] =	vst v63  }
0x18: {  	s5 =	rddreg [dreg:$0x5];
	s30 =	simm.s32 @!p0 $0x1C04  }
0x19: {  	[tilespmem:s15], [sflag:$0x2] =	stream.linear.gather [hbm4b:s5+s3], $0x1400, $0x38;
	[tilespmem:$0x1E080] =	vst v63  }
0x1a: {  	[spmem:s16], [sflag:s8] =	dma.local [hbm:s6], $0x2700  }
0x1b: {  	[spmem:s17], [sflag:s30] =	dma.local @!p0 [hbm:s9], $0x100  }
0x1c: {  	s30 =	simm.s32 @!p0 $0x4  }
0x1d: {  	_ =	swait.ge @!p0 [sflag:s30], $0x100  }
0x1e: {  	[sflag:s30] =	ssyncset.done @!p0 $0x0  }
0x1f: {  	[sflag:s30] =	ssyncadd.s32 @!p0 $0xFFFFFF00  }
0x20: {  	_ =	swait.ge [sflag:s18], $0x1400  }
0x21: {  	[sflag:s18] =	ssyncset.done $0x0  }
0x22: {  	[sflag:s18] =	ssyncadd.s32 $0xFFFFEC00  }
0x23: {  	_ =	swait.ge [sflag:s19], $0x1400  }
0x24: {  	[sflag:s19] =	ssyncset.done $0x0  }
0x25: {  	[sflag:s19] =	ssyncadd.s32 $0xFFFFEC00  }
0x26: {  	_ =	swait.ge [sflag:s20], $0x2700  }
0x27: {  	[sflag:s20] =	ssyncset.done $0x0  }
0x28: {  	[sflag:s20] =	ssyncadd.s32 $0xFFFFD900  }
0x29: {  	[bflag:$0x0] =	sbarrier.arrive $0xFFFF  }
0x2a: {  	[tilespmem:s22], [sflag:$0x1] =	stream.indirect.gather [hbm4b:s1+s21], $0x80, s3, s21, $0xb8;
	[tilespmem:$0x1E080] =	vst v63  }
0x2b: {  	s30 =	simm.s32 $0x80  }
0x2c: {  	[tilespmem:s23], [sflag:$0x2] =	stream.indirect.gather [hbm4b:s1+s21], $0x80, s30, s21, $0xb8;
	[tilespmem:$0x1E080] =	vst v63  }
0x2d: {  	_ =	swait.ge [sflag:s18], $0x3E80  }
0x2e: {  	[sflag:s18] =	ssyncset.done $0x0  }
0x2f: {  	s30 =	simm.s32 $0x1400;
	[sflag:s18] =	ssyncadd.s32 $0xFFFFC180  }
0x30: {  	[spmem:s2] =	stream.indirect.scatter.add.f32 [tilespmem:s22], [sflag:$0x4], $0x80, s30, s21, $0xb8;
	[tilespmem:$0x1E080] =	vst v63  }
0x31: {  	_ =	swait.ge [sflag:s24], $0x3E80  }
0x32: {  	[sflag:s24] =	ssyncset.done $0x0  }
0x33: {  	s30 =	simm.s32 $0x100;
	[sflag:s24] =	ssyncadd.s32 $0xFFFFC180  }
0x34: {  	[tilespmem:s22], [sflag:$0x1] =	stream.indirect.gather [hbm4b:s1+s21], $0x80, s30, s21, $0xb8;
	[tilespmem:$0x1E080] =	vst v63  }
0x35: {  	_ =	swait.ge [sflag:s19], $0x3E80  }
0x36: {  	[sflag:s19] =	ssyncset.done $0x0  }
0x37: {  	s30 =	simm.s32 $0x1480;
	[sflag:s19] =	ssyncadd.s32 $0xFFFFC180  }
0x38: {  	[spmem:s2] =	stream.indirect.scatter.add.f32 [tilespmem:s23], [sflag:$0x4], $0x80, s30, s21, $0xb8;
	[tilespmem:$0x1E080] =	vst v63  }
0x39: {  	_ =	swait.ge [sflag:s24], $0x3E80  }
0x3a: {  	s31 =	simm.s32 $0x800;
	s30 =	simm.s32 $0x100;
	[sflag:s24] =	ssyncset.done $0x0  }
.LBB2_2:
0x3b: {  	s0 =	sadd.s32 $0x80, s30  }
0x3c: {  	[sflag:s24] =	ssyncadd.s32 $0xFFFFC180;
	s4 =	smov.u32 s31;
	s5 =	sadd.s32 $0x400, s31  }
0x3d: {  	[tilespmem:s23], [sflag:$0x2] =	stream.indirect.gather [hbm4b:s1+s21], $0x80, s0, s21, $0xb8;
	[tilespmem:$0x1E080] =	vst v63  }
0x3e: {  	p1 =	sne.s32 s31, $0x4800;
	_ =	swait.ge [sflag:s18], $0x3E80  }
0x3f: {  	[sflag:s18] =	ssyncset.done $0x0  }
0x40: {  	s0 =	sadd.s32 $0x1400, s30;
	[sflag:s18] =	ssyncadd.s32 $0xFFFFC180  }
0x41: {  	[spmem:s2] =	stream.indirect.scatter.add.f32 [tilespmem:s22], [sflag:$0x4], $0x80, s0, s21, $0xb8;
	[tilespmem:$0x1E080] =	vst v63  }
0x42: {  	_ =	swait.ge [sflag:s24], $0x3E80  }
0x43: {  	[sflag:s24] =	ssyncset.done $0x0  }
0x44: {  	s0 =	sadd.s32 $0x100, s30;
	[sflag:s24] =	ssyncadd.s32 $0xFFFFC180  }
0x45: {  	[tilespmem:s22], [sflag:$0x1] =	stream.indirect.gather [hbm4b:s1+s21], $0x80, s0, s21, $0xb8;
	[tilespmem:$0x1E080] =	vst v63  }
0x46: {  	_ =	swait.ge [sflag:s19], $0x3E80  }
.Ltmp0:
0x47: {  	[sflag:s19] =	ssyncset.done $0x0;
	(pc) =	sbr.rel @p1 .LBB2_2-.Ltmp0, $4  }
0x48: {  	s0 =	sadd.s32 $0x1480, s30;
	[sflag:s19] =	ssyncadd.s32 $0xFFFFC180  }
0x49: {  	[spmem:s2] =	stream.indirect.scatter.add.f32 [tilespmem:s23], [sflag:$0x4], $0x80, s0, s21, $0xb8;
	[tilespmem:$0x1E080] =	vst v63  }
0x4a: {  	_ =	swait.ge [sflag:s24], $0x3E80  }
0x4b: {  	s31 =	smov.u32 s5;
	s30 =	sshra.s32 s4, $0x2;
	[sflag:s24] =	ssyncset.done $0x0  }
0x4c: {  	s0 =	sadd.s32 $0x80, s30;
	[sflag:s24] =	ssyncadd.s32 $0xFFFFC180  }
0x4d: {  	[tilespmem:s23], [sflag:$0x2] =	stream.indirect.gather [hbm4b:s1+s21], $0x80, s0, s21, $0xb8;
	[tilespmem:$0x1E080] =	vst v63  }
0x4e: {  	_ =	swait.ge [sflag:s18], $0x3E80  }
0x4f: {  	[sflag:s18] =	ssyncset.done $0x0  }
0x50: {  	s4 =	sadd.s32 $0x1400, s30;
	[sflag:s18] =	ssyncadd.s32 $0xFFFFC180  }
0x51: {  	[spmem:s2] =	stream.indirect.scatter.add.f32 [tilespmem:s22], [sflag:$0x4], $0x80, s4, s21, $0xb8;
	[tilespmem:$0x1E080] =	vst v63  }
0x52: {  	_ =	swait.ge [sflag:s24], $0x3E80  }
0x53: {  	[sflag:s24] =	ssyncset.done $0x0  }
0x54: {  	s5 =	sadd.s32 $0x100, s30;
	[sflag:s24] =	ssyncadd.s32 $0xFFFFC180  }
0x55: {  	[tilespmem:s22], [sflag:$0x1] =	stream.indirect.gather [hbm4b:s1+s21], $0x80, s5, s21, $0xb8;
	[tilespmem:$0x1E080] =	vst v63  }
0x56: {  	_ =	swait.ge [sflag:s19], $0x3E80  }
0x57: {  	[sflag:s19] =	ssyncset.done $0x0  }
0x58: {  	s4 =	sadd.s32 $0x1480, s30;
	[sflag:s19] =	ssyncadd.s32 $0xFFFFC180  }
0x59: {  	[spmem:s2] =	stream.indirect.scatter.add.f32 [tilespmem:s23], [sflag:$0x4], $0x80, s4, s21, $0xb8;
	[tilespmem:$0x1E080] =	vst v63  }
0x5a: {  	_ =	swait.ge [sflag:s24], $0x3E80  }
0x5b: {  	[sflag:s24] =	ssyncset.done $0x0  }
0x5c: {  	[sflag:s24] =	ssyncadd.s32 $0xFFFFC180  }
0x5d: {  	[tilespmem:s23], [sflag:$0x2] =	stream.indirect.gather [hbm4b:s1+s21], $0x80, s25, s21, $0xb8;
	[tilespmem:$0x1E080] =	vst v63  }
0x5e: {  	_ =	swait.ge [sflag:s18], $0x3E80  }
0x5f: {  	[sflag:s18] =	ssyncset.done $0x0  }
0x60: {  	[sflag:s18] =	ssyncadd.s32 $0xFFFFC180  }
0x61: {  	[spmem:s2] =	stream.indirect.scatter.add.f32 [tilespmem:s22], [sflag:$0x4], $0x80, s26, s21, $0xb8;
	[tilespmem:$0x1E080] =	vst v63  }
0x62: {  	_ =	swait.ge [sflag:s24], $0x3E80  }
0x63: {  	[sflag:s24] =	ssyncset.done $0x0  }
0x64: {  	[sflag:s24] =	ssyncadd.s32 $0xFFFFC180  }
0x65: {  	_ =	swait.ge [sflag:s19], $0x3E80  }
0x66: {  	[sflag:s19] =	ssyncset.done $0x0  }
0x67: {  	[sflag:s19] =	ssyncadd.s32 $0xFFFFC180  }
0x68: {  	[spmem:s2] =	stream.indirect.scatter.add.f32 [tilespmem:s23], [sflag:$0x4], $0x80, s28, s21, $0xb8;
	[tilespmem:$0x1E080] =	vst v63  }
0x69: {  	_ =	swait.ge [sflag:s24], $0x3E80  }
0x6a: {  	[sflag:s24] =	ssyncset.done $0x0  }
0x6b: {  	s5 =	simm.s32 $0x0;
	[sflag:s24] =	ssyncadd.s32 $0xFFFFC180  }
0x6c: {  	[tilespmem:s5], [sflag:$0x4] =	stream.linear.gather [hbm4b:s10+s5], $0x1400, $0x38;
	[tilespmem:$0x1E080] =	vst v63  }
0x6d: {  	_ =	swait.ge [sflag:s24], $0x1400  }
0x6e: {  	[sflag:s24] =	ssyncset.done $0x0  }
0x6f: {  	[sflag:s24] =	ssyncadd.s32 $0xFFFFEC00  }
0x70: {  	[tilespmem:s15], [sflag:$0x4] =	stream.linear.gather [hbm4b:s11+s5], $0x1400, $0x38;
	[tilespmem:$0x1E080] =	vst v63  }
0x71: {  	_ =	swait.ge [sflag:s24], $0x1400  }
0x72: {  	[sflag:s24] =	ssyncset.done $0x0  }
0x73: {  	[sflag:s24] =	ssyncadd.s32 $0xFFFFEC00  }
0x74: {  	[tilespmem:s22], [sflag:$0x1] =	stream.indirect.gather [hbm4b:s1+s21], $0x80, s5, s21, $0xb8;
	[tilespmem:$0x1E080] =	vst v63  }
0x75: {  	s4 =	simm.s32 $0x80  }
0x76: {  	[tilespmem:s23], [sflag:$0x2] =	stream.indirect.gather [hbm4b:s1+s21], $0x80, s4, s21, $0xb8;
	[tilespmem:$0x1E080] =	vst v63  }
0x77: {  	_ =	swait.ge [sflag:s18], $0x3E80  }
0x78: {  	[sflag:s18] =	ssyncset.done $0x0  }
0x79: {  	s5 =	simm.s32 $0x1400;
	[sflag:s18] =	ssyncadd.s32 $0xFFFFC180  }
0x7a: {  	[spmem:s2] =	stream.indirect.scatter.add.f32 [tilespmem:s22], [sflag:$0x4], $0x80, s5, s21, $0xb8;
	[tilespmem:$0x1E080] =	vst v63  }
0x7b: {  	_ =	swait.ge [sflag:s24], $0x3E80  }
0x7c: {  	[sflag:s24] =	ssyncset.done $0x0  }
0x7d: {  	s4 =	simm.s32 $0x100;
	[sflag:s24] =	ssyncadd.s32 $0xFFFFC180  }
0x7e: {  	[tilespmem:s22], [sflag:$0x1] =	stream.indirect.gather [hbm4b:s1+s21], $0x80, s4, s21, $0xb8;
	[tilespmem:$0x1E080] =	vst v63  }
0x7f: {  	_ =	swait.ge [sflag:s19], $0x3E80  }
0x80: {  	[sflag:s19] =	ssyncset.done $0x0  }
0x81: {  	s5 =	simm.s32 $0x1480;
	[sflag:s19] =	ssyncadd.s32 $0xFFFFC180  }
0x82: {  	[spmem:s2] =	stream.indirect.scatter.add.f32 [tilespmem:s23], [sflag:$0x4], $0x80, s5, s21, $0xb8;
	[tilespmem:$0x1E080] =	vst v63  }
0x83: {  	_ =	swait.ge [sflag:s24], $0x3E80  }
0x84: {  	s31 =	simm.s32 $0x800;
	s30 =	simm.s32 $0x100;
	[sflag:s24] =	ssyncset.done $0x0  }
.LBB2_4:
0x85: {  	s0 =	sadd.s32 $0x80, s30  }
0x86: {  	[sflag:s24] =	ssyncadd.s32 $0xFFFFC180;
	s4 =	smov.u32 s31;
	s5 =	sadd.s32 $0x400, s31  }
0x87: {  	[tilespmem:s23], [sflag:$0x2] =	stream.indirect.gather [hbm4b:s1+s21], $0x80, s0, s21, $0xb8;
	[tilespmem:$0x1E080] =	vst v63  }
0x88: {  	p1 =	sne.s32 s31, $0x4800;
	_ =	swait.ge [sflag:s18], $0x3E80  }
0x89: {  	[sflag:s18] =	ssyncset.done $0x0  }
0x8a: {  	s0 =	sadd.s32 $0x1400, s30;
	[sflag:s18] =	ssyncadd.s32 $0xFFFFC180  }
0x8b: {  	[spmem:s2] =	stream.indirect.scatter.add.f32 [tilespmem:s22], [sflag:$0x4], $0x80, s0, s21, $0xb8;
	[tilespmem:$0x1E080] =	vst v63  }
0x8c: {  	_ =	swait.ge [sflag:s24], $0x3E80  }
0x8d: {  	[sflag:s24] =	ssyncset.done $0x0  }
0x8e: {  	s0 =	sadd.s32 $0x100, s30;
	[sflag:s24] =	ssyncadd.s32 $0xFFFFC180  }
0x8f: {  	[tilespmem:s22], [sflag:$0x1] =	stream.indirect.gather [hbm4b:s1+s21], $0x80, s0, s21, $0xb8;
	[tilespmem:$0x1E080] =	vst v63  }
0x90: {  	_ =	swait.ge [sflag:s19], $0x3E80  }
.Ltmp1:
0x91: {  	[sflag:s19] =	ssyncset.done $0x0;
	(pc) =	sbr.rel @p1 .LBB2_4-.Ltmp1, $4  }
0x92: {  	s0 =	sadd.s32 $0x1480, s30;
	[sflag:s19] =	ssyncadd.s32 $0xFFFFC180  }
0x93: {  	[spmem:s2] =	stream.indirect.scatter.add.f32 [tilespmem:s23], [sflag:$0x4], $0x80, s0, s21, $0xb8;
	[tilespmem:$0x1E080] =	vst v63  }
0x94: {  	_ =	swait.ge [sflag:s24], $0x3E80  }
0x95: {  	s31 =	smov.u32 s5;
	s30 =	sshra.s32 s4, $0x2;
	[sflag:s24] =	ssyncset.done $0x0  }
0x96: {  	s0 =	sadd.s32 $0x80, s30;
	[sflag:s24] =	ssyncadd.s32 $0xFFFFC180  }
0x97: {  	[tilespmem:s23], [sflag:$0x2] =	stream.indirect.gather [hbm4b:s1+s21], $0x80, s0, s21, $0xb8;
	[tilespmem:$0x1E080] =	vst v63  }
0x98: {  	_ =	swait.ge [sflag:s18], $0x3E80  }
0x99: {  	[sflag:s18] =	ssyncset.done $0x0  }
0x9a: {  	s4 =	sadd.s32 $0x1400, s30;
	[sflag:s18] =	ssyncadd.s32 $0xFFFFC180  }
0x9b: {  	[spmem:s2] =	stream.indirect.scatter.add.f32 [tilespmem:s22], [sflag:$0x4], $0x80, s4, s21, $0xb8;
	[tilespmem:$0x1E080] =	vst v63  }
0x9c: {  	_ =	swait.ge [sflag:s24], $0x3E80  }
0x9d: {  	[sflag:s24] =	ssyncset.done $0x0  }
0x9e: {  	s5 =	sadd.s32 $0x100, s30;
	[sflag:s24] =	ssyncadd.s32 $0xFFFFC180  }
0x9f: {  	[tilespmem:s22], [sflag:$0x1] =	stream.indirect.gather [hbm4b:s1+s21], $0x80, s5, s21, $0xb8;
	[tilespmem:$0x1E080] =	vst v63  }
0xa0: {  	_ =	swait.ge [sflag:s19], $0x3E80  }
0xa1: {  	[sflag:s19] =	ssyncset.done $0x0  }
0xa2: {  	s31 =	sadd.s32 $0x1480, s30;
	[sflag:s19] =	ssyncadd.s32 $0xFFFFC180  }
0xa3: {  	[spmem:s2] =	stream.indirect.scatter.add.f32 [tilespmem:s23], [sflag:$0x4], $0x80, s31, s21, $0xb8;
	[tilespmem:$0x1E080] =	vst v63  }
0xa4: {  	_ =	swait.ge [sflag:s24], $0x3E80  }
0xa5: {  	[sflag:s24] =	ssyncset.done $0x0  }
0xa6: {  	[sflag:s24] =	ssyncadd.s32 $0xFFFFC180  }
0xa7: {  	[tilespmem:s23], [sflag:$0x2] =	stream.indirect.gather [hbm4b:s1+s21], $0x80, s25, s21, $0xb8;
	[tilespmem:$0x1E080] =	vst v63  }
0xa8: {  	_ =	swait.ge [sflag:s18], $0x3E80  }
0xa9: {  	[sflag:s18] =	ssyncset.done $0x0  }
0xaa: {  	[sflag:s18] =	ssyncadd.s32 $0xFFFFC180  }
0xab: {  	[spmem:s2] =	stream.indirect.scatter.add.f32 [tilespmem:s22], [sflag:$0x4], $0x80, s26, s21, $0xb8;
	[tilespmem:$0x1E080] =	vst v63  }
0xac: {  	_ =	swait.ge [sflag:s24], $0x3E80  }
0xad: {  	[sflag:s24] =	ssyncset.done $0x0  }
0xae: {  	[sflag:s24] =	ssyncadd.s32 $0xFFFFC180  }
0xaf: {  	_ =	swait.ge [sflag:s19], $0x3E80  }
0xb0: {  	[sflag:s19] =	ssyncset.done $0x0  }
0xb1: {  	[sflag:s19] =	ssyncadd.s32 $0xFFFFC180  }
0xb2: {  	[spmem:s2] =	stream.indirect.scatter.add.f32 [tilespmem:s23], [sflag:$0x4], $0x80, s28, s21, $0xb8;
	[tilespmem:$0x1E080] =	vst v63  }
0xb3: {  	_ =	swait.ge [sflag:s24], $0x3E80  }
0xb4: {  	[sflag:s24] =	ssyncset.done $0x0  }
0xb5: {  	[sflag:s24] =	ssyncadd.s32 $0xFFFFC180  }
0xb6: {  	s0 =	sor.u32 $0x1C04, s7;
	[bflag:$0x0] =	sbarrier.arrive $0xFFFF  }
0xb7: {  	[hbm:s12], [sflag:s0] =	dma.local [spmem:s16], $0x2700  }
0xb8: {  	_ =	swait.ge [sflag:s24], $0x2700  }
0xb9: {  	s29 =	sadd.s32 $0x1, s29;
	[sflag:s24] =	ssyncset.done $0x0  }
0xba: {  	p1 =	sne.s32 s29, s14;
	[sflag:s24] =	ssyncadd.s32 $0xFFFFD900  }
0xbb: {  	[hbm:s13], [sflag:s0] =	dma.local @!p0 [spmem:s17], $0x100  }
.Ltmp2:
0xbc: {  	_ = 	snop;
	(pc) =	sbr.rel @p1 .LBB2_1-.Ltmp2, $4  }
0xbd: {  	s0 =	simm.s32 @!p0 $0x4  }
0xbe: {  	_ =	swait.ge @!p0 [sflag:s0], $0x100  }
0xbf: {  	[sflag:s0] =	ssyncset.done @!p0 $0x0  }
0xc0: {  	[sflag:s0] =	ssyncadd.s32 @!p0 $0xFFFFFF00  }
0xc1: {  	_ =	sfence.sel $0x180000  }
0xc2: {  	[bflag:$0x0] =	sbarrier.arrive $0xFFFF  }
0xc3: {  	_ =	strace $0x9000004A  }
0xc4: {  	[bflag:$0x2] =	sbarrier.arrive $0xFFFF  }
0xc5: {  	s0 =	rddreg [dreg:$0x3]  }
0xc6: {  	s0 =	sadd.s32 @!p0 $0x100000, s0  }
0xc7: {  	[sflag:s0] =	ssyncadd.tile.s32 @!p0 $0x1;
	_ =	shalt  }
.Lfunc_end2:
_tile_overlayer_lowered:
.L_overlay_start_2:
0xc8: {  	(tag) =	ssettag $0x2  }
0xc9: {  	s0 =	rddreg [dreg:$0x0];
	s2 =	stileid.u32  }
0xca: {  	s1 =	rddreg [dreg:$0x1];
	p0 =	sne.s32 s2, $0x0  }
0xcb: {  	s3 =	rddreg [dreg:$0x2];
	[bflag:$0x3] =	sbarrier.arrive $0xFFFF;
	s2 =	simm.s32 @!p0 $0x1C04  }
0xcc: {  	[timem:s3], [sflag:s2] =	dma.local @!p0 [hbm:s0], s1  }
0xcd: {  	s0 =	simm.s32 @!p0 $0x4  }
0xce: {  	_ =	swait.ge @!p0 [sflag:s0], s1  }
0xcf: {  	s1 =	ssub.s32 @!p0 $0x0, s1;
	[sflag:s0] =	ssyncset.done @!p0 $0x0  }
0xd0: {  	[sflag:s0] =	ssyncadd.s32 @!p0 s1  }
0xd1: {  	[bflag:$0x3] =	sbarrier.arrive $0xFFFF  }
0xd2: {  	_ =	shalt  }

</sc_bundles>
